<compile_context>
chip_gen: v7x
topology: tpu7x:2x2x1
jax: 0.10.2.dev20260603
libtpu: 0.0.44.dev20260713+nightly
codegen_flags: <defaults>
</compile_context>

<pallas_src>
import functools

import jax
import jax.numpy as jnp
from jax import lax
from jax.experimental import pallas as pl
from jax.experimental.pallas import tpu as pltpu
from jax.experimental.pallas import tpu_sc as plsc

E = 8
D = 768
H = 512
T = 2048
CAP = 1024.0
BT = 128
PT = T + E * BT
NB = PT // BT
BE_ROWS = 32
KWW = 128
DW = D + KWW
NC = 2
NS = 16
NW = NC * NS
TW = T // NW


def _cumsum1(a):
    n = a.shape[1]
    d = 1
    while d < n:
        z = jnp.zeros((a.shape[0], d), a.dtype)
        a = a + jnp.concatenate([z, a[:, : n - d]], axis=1)
        d *= 2
    return a


def _route_kernel(x_ref, wr_ref, br_ref, dst_ref, kw_ref, be_ref):
    st = lax.dot_general(
        wr_ref[...], x_ref[...], (((0,), (1,)), ((), ())),
        preferred_element_type=jnp.float32)
    st = st + br_ref[...]
    iota = lax.broadcasted_iota(jnp.int32, (E, T), 0)
    v0 = jnp.max(st, axis=0, keepdims=True)
    e0 = jnp.min(jnp.where(st == v0, iota, E), axis=0, keepdims=True)
    masked = jnp.where(iota == e0, -jnp.inf, st)
    v1 = jnp.max(masked, axis=0, keepdims=True)
    e1 = jnp.min(jnp.where(masked == v1, iota, E), axis=0, keepdims=True)
    s0 = 1.0 / (1.0 + jnp.exp(v1 - v0))
    s1 = 1.0 - s0
    oh0 = (iota == e0).astype(jnp.float32)
    oh1 = (iota == e1).astype(jnp.float32)
    c0 = _cumsum1(oh0)
    c1 = _cumsum1(oh1)
    pos0 = jnp.sum(c0 * oh0, axis=0, keepdims=True)
    pos1 = jnp.sum((c0 + c1) * oh1, axis=0, keepdims=True)
    m0 = pos0 < CAP
    m1 = pos1 < CAP
    kw = jnp.where(m0, s0, 0.0) + jnp.where(m1, s1, 0.0)
    kw_ref[...] = jnp.broadcast_to(jnp.transpose(kw, (1, 0)), (T, KWW))
    g = jnp.maximum(jnp.where(m0, e0, 0), jnp.where(m1, e1, 0))
    ohg = (iota == g).astype(jnp.float32)
    cg = _cumsum1(ohg)
    rank = jnp.sum(cg * ohg, axis=0, keepdims=True) - 1.0
    cnt = cg[:, T - 1 : T]
    pc = jnp.ceil(cnt * (1.0 / BT)) * BT
    tri = (
        lax.broadcasted_iota(jnp.int32, (E, E), 0)
        > lax.broadcasted_iota(jnp.int32, (E, E), 1)
    ).astype(jnp.float32)
    starts = jnp.dot(tri, pc, preferred_element_type=jnp.float32)
    dstf = jnp.sum(ohg * starts, axis=0, keepdims=True) + rank
    dst_ref[...] = dstf.astype(jnp.int32)
    ends = starts + pc
    jb = (lax.broadcasted_iota(jnp.int32, (1, BE_ROWS), 1) * BT).astype(
        jnp.float32)
    be = jnp.sum((jb >= ends).astype(jnp.int32), axis=0, keepdims=True)
    be = jnp.minimum(be, E - 1)
    nact = (ends[E - 1, 0] * (1.0 / BT)).astype(jnp.int32)
    lanes = lax.broadcasted_iota(jnp.int32, (1, BE_ROWS), 1)
    be_ref[...] = jnp.where(lanes == NB, nact, be)


def _ffn_kernel(be_ref, xs_ref, w1_ref, w2_ref, w3_ref, ys_ref):
    @pl.when(pl.program_id(0) < be_ref[NB])
    def _():
        xb = xs_ref[:, 0:D]
        h1 = jnp.dot(xb, w1_ref[0], preferred_element_type=jnp.float32)
        h2 = jnp.dot(xb, w2_ref[0], preferred_element_type=jnp.float32)
        z = h2 * h1
        hh = 0.5 * z * (1.0 + lax.erf(z * 0.7071067811865476))
        y = jnp.dot(hh, w3_ref[0], preferred_element_type=jnp.float32)
        kwb = xs_ref[:, D : D + 1]
        ys_ref[...] = kwb * y + (1.0 - kwb) * xb


@functools.lru_cache(maxsize=1)
def _make_sc_kernels():
    mesh = plsc.VectorSubcoreMesh(core_axis_name="c", subcore_axis_name="s")

    @functools.partial(
        pl.kernel,
        mesh=mesh,
        out_type=jax.ShapeDtypeStruct((PT, DW), jnp.float32),
        scratch_types=[
            pltpu.VMEM((TW,), jnp.int32),
            pltpu.VMEM((TW, DW), jnp.float32),
            pltpu.SemaphoreType.DMA,
            pltpu.SemaphoreType.DMA,
            pltpu.SemaphoreType.DMA,
        ],
    )
    def sc_scatter(dst_hbm, x_hbm, kw16_hbm, xs_hbm, idx_v, rows_v,
                   sem, sem2, sem3):
        wid = lax.axis_index("s") * NC + lax.axis_index("c")
        base = wid * TW
        c1 = pltpu.async_copy(dst_hbm.at[0, pl.ds(base, TW)], idx_v, sem)
        c2 = pltpu.async_copy(x_hbm.at[pl.ds(base, TW)],
                              rows_v.at[:, pl.ds(0, D)], sem2)
        c3 = pltpu.async_copy(kw16_hbm.at[pl.ds(base, TW)],
                              rows_v.at[:, pl.ds(D, KWW)], sem3)
        c1.wait()
        c2.wait()
        c3.wait()
        pltpu.async_copy(rows_v, xs_hbm.at[idx_v], sem).wait()

    @functools.partial(
        pl.kernel,
        mesh=mesh,
        out_type=jax.ShapeDtypeStruct((T, D), jnp.float32),
        scratch_types=[
            pltpu.VMEM((TW,), jnp.int32),
            pltpu.VMEM((TW, D), jnp.float32),
            pltpu.SemaphoreType.DMA,
        ],
    )
    def sc_gather(dst_hbm, ys_hbm, g_hbm, idx_v, rows_v, sem):
        wid = lax.axis_index("s") * NC + lax.axis_index("c")
        base = wid * TW
        pltpu.sync_copy(dst_hbm.at[0, pl.ds(base, TW)], idx_v)
        pltpu.async_copy(ys_hbm.at[idx_v], rows_v, sem).wait()
        pltpu.sync_copy(rows_v, g_hbm.at[pl.ds(base, TW)])

    return sc_scatter, sc_gather


def kernel(x, Wr, br, w1, w2, w3):
    b, t, d = x.shape
    x_flat = x.reshape(T, D)

    dst2, kw16, be2 = pl.pallas_call(
        _route_kernel,
        out_shape=[
            jax.ShapeDtypeStruct((1, T), jnp.int32),
            jax.ShapeDtypeStruct((T, KWW), jnp.float32),
            jax.ShapeDtypeStruct((1, BE_ROWS), jnp.int32),
        ],
    )(x_flat, Wr, br.reshape(E, 1))

    sc_scatter, sc_gather = _make_sc_kernels()
    xs = sc_scatter(dst2, x_flat, kw16)

    def _jm(j, be):
        return jnp.minimum(j, be[NB] - 1)

    grid_spec = pltpu.PrefetchScalarGridSpec(
        num_scalar_prefetch=1,
        grid=(NB,),
        in_specs=[
            pl.BlockSpec((BT, DW), lambda j, be: (_jm(j, be), 0)),
            pl.BlockSpec((1, D, H), lambda j, be: (be[_jm(j, be)], 0, 0)),
            pl.BlockSpec((1, D, H), lambda j, be: (be[_jm(j, be)], 0, 0)),
            pl.BlockSpec((1, H, D), lambda j, be: (be[_jm(j, be)], 0, 0)),
        ],
        out_specs=pl.BlockSpec((BT, D), lambda j, be: (_jm(j, be), 0)),
    )
    ys = pl.pallas_call(
        _ffn_kernel,
        grid_spec=grid_spec,
        out_shape=jax.ShapeDtypeStruct((PT, D), jnp.float32),
    )(be2.reshape(BE_ROWS), xs, w1, w2, w3)

    out = sc_gather(dst2, ys)
    return out.reshape(b, t, d)

# --- scband reference (transcript-rebuilt; emitter-appended) ---
"""Pipeline reference for scband-transformer-block-87119116632100 (READ-ONLY COPY).

The authoritative reference and input builder live on the scoring server;
editing this copy changes nothing except your own understanding.
"""

import jax, jax.numpy as jnp
import numpy as np

E = 8
TOPK = 2
D = 768
H = 512
CAP_FRAC = 0.5
B = 1
T = 2048


def setup_inputs(seed: int = 0) -> dict:
    key = jax.random.key(seed)
    ks = jax.random.split(key, 6)
    x = jax.random.normal(ks[0], (B, T, D), dtype=jnp.float32)
    Wr = jax.random.normal(ks[1], (D, E), dtype=jnp.float32) * 0.02
    br = jnp.zeros((E,), dtype=jnp.float32)
    w1 = jax.random.normal(ks[2], (E, D, H), dtype=jnp.float32) * 0.02
    w2 = jax.random.normal(ks[3], (E, D, H), dtype=jnp.float32) * 0.02
    w3 = jax.random.normal(ks[4], (E, H, D), dtype=jnp.float32) * 0.02
    return {"x": x, "Wr": Wr, "br": br, "w1": w1, "w2": w2, "w3": w3}


def _moe_forward(x, Wr, br, w1, w2, w3):
    b, t, d = x.shape
    x_flat = x.reshape(b * t, d)
    B_t = b * t
    capacity = int(np.floor(B_t * CAP_FRAC))
    # router (fp32 in original)
    scores = jnp.einsum('io,ti->to', Wr, x_flat.astype(jnp.float32)) + br
    top_vals, top_idx = jax.lax.top_k(scores, TOPK)
    expert_scores = jax.nn.softmax(top_vals, axis=-1).astype(x.dtype)
    # token-expert assignment bookkeeping (faithful to torch, incl. dead outputs)
    onehot = jax.nn.one_hot(top_idx, E, dtype=jnp.float32)            # [B_t, k, E]
    pos = jnp.cumsum(jnp.cumsum(onehot, axis=0), axis=1).astype(jnp.int32)
    expert_mask = onehot * (pos < capacity).astype(jnp.float32)       # [B_t, k, E]
    token_assignment_mask = jnp.sum(expert_mask, axis=-1)             # [B_t, k]
    expert_choices = jax.nn.one_hot(pos, capacity, dtype=jnp.float32) * expert_mask[..., None]
    expert_choices = jnp.sum(expert_choices, axis=1)                  # [B_t, E, cap]
    expert_choices = jnp.transpose(expert_choices, (1, 2, 0)).astype(jnp.int32)  # dead output, kept for faithfulness
    expert_assign = jnp.einsum('tke,e->tk', expert_mask, jnp.arange(E, dtype=jnp.float32))
    pos_sel = jnp.einsum('tke,tke->tk', expert_mask, pos.astype(jnp.float32))
    epa = jnp.stack([expert_assign, pos_sel], axis=-1).astype(jnp.int32)  # [B_t, k, 2]
    expert_scores = expert_scores.reshape(b, t, TOPK)
    epa = epa.reshape(b, t, TOPK, 2)
    tam = token_assignment_mask.reshape(b, t, TOPK)
    expert_outputs = jnp.zeros((b, t, TOPK, d), dtype=x.dtype)
    for i in range(E):
        # DenseFF: gelu(w2(x) * w1(x)) @ w3  (exact gelu like torch F.gelu)
        h2 = jnp.einsum('io,bti->bto', w2[i], x)
        h1 = jnp.einsum('io,bti->bto', w1[i], x)
        h = jax.nn.gelu(h2 * h1, approximate=False)
        out_i = jnp.einsum('io,bti->bto', w3[i], h)                   # [b, t, d]
        sel = jnp.any(epa[..., 0] == i, axis=-1)                      # [b, t]; writes broadcast over k, last expert wins
        expert_outputs = jnp.where(sel[:, :, None, None], out_i[:, :, None, :], expert_outputs)
    expert_outputs = jnp.where(tam[..., None].astype(bool), expert_outputs, x[:, :, None, :])
    result = jnp.einsum('btkD,btk->btD', expert_outputs, expert_scores)
    return result


def reference(x, Wr, br, w1, w2, w3):
    return _moe_forward(x, Wr, br, w1, w2, w3)

if __name__ == "__main__":
    import jax
    _d = setup_inputs()
    print(jax.jit(kernel)(*tuple(_d.values())))

</pallas_src>

<mosaic_0001>
#map = affine_map<(d0, d1) -> (0, 0)>
module attributes {stable_mosaic.version = 14 : i64} {
  func.func @sc_gather(%arg0: i32, %arg1: i32, %arg2: memref<1x2048xi32, #tpu.memory_space<hbm>>, %arg3: memref<3072x768xf32, #tpu.memory_space<hbm>>, %arg4: memref<2048x768xf32, #tpu.memory_space<hbm>>, %arg5: memref<64xi32, #tpu.memory_space<vmem>>, %arg6: memref<64x768xf32, #tpu.memory_space<vmem>>, %arg7: memref<!tpu.dma_semaphore, #tpu.memory_space<semaphore_mem>>) attributes {dimension_semantics = [#tpu.dimension_semantics<core_parallel>, #tpu.dimension_semantics<subcore_parallel>], iteration_bounds = array<i64: 2, 16>, scalar_prefetch = 0 : i64, scratch_operands = 3 : i64, tpu.core_type = #tpu.core_type<sc_vector_subcore>, window_params = [{transform_indices = #map}, {transform_indices = #map}, {transform_indices = #map}]} {
    %mul3A = arith.constant 2 : i32
    %mul3A_0 = arith.muli %arg1, %mul3A : i32
    %add3A = arith.addi %mul3A_0, %arg0 : i32
    %mul3A_1 = arith.constant 64 : i32
    %mul3A_2 = arith.muli %add3A, %mul3A_1 : i32
    %run_scoped3A = arith.constant 0 : i32
    "tpu.region"() ({
      %run_scoped3A_7 = tpu.sem_alloc : memref<!tpu.dma_semaphore, #tpu.memory_space<semaphore_mem>>
      %dma_start3A_8 = tpu.memref_slice %arg2[%run_scoped3A, %mul3A_2] : memref<1x2048xi32, #tpu.memory_space<hbm>> -> memref<1x64xi32, #tpu.memory_space<hbm>>
      %dma_start3A_9 = tpu.memref_squeeze %dma_start3A_8 : memref<1x64xi32, #tpu.memory_space<hbm>> -> memref<64xi32, #tpu.memory_space<hbm>>
      %dma_start3A_10 = tpu.memref_slice %arg2[%run_scoped3A, %mul3A_2] : memref<1x2048xi32, #tpu.memory_space<hbm>> -> memref<1x64xi32, #tpu.memory_space<hbm>>
      %dma_start3A_11 = tpu.memref_squeeze %dma_start3A_10 : memref<1x64xi32, #tpu.memory_space<hbm>> -> memref<64xi32, #tpu.memory_space<hbm>>
      tpu.enqueue_dma source(%dma_start3A_11 : memref<64xi32, #tpu.memory_space<hbm>>) target(%arg5 : memref<64xi32, #tpu.memory_space<vmem>>) target_semaphore(%run_scoped3A_7 : memref<!tpu.dma_semaphore, #tpu.memory_space<semaphore_mem>>)
      %dma_wait3A_12 = tpu.memref_slice %arg2[%run_scoped3A, %mul3A_2] : memref<1x2048xi32, #tpu.memory_space<hbm>> -> memref<1x64xi32, #tpu.memory_space<hbm>>
      %dma_wait3A_13 = tpu.memref_squeeze %dma_wait3A_12 : memref<1x64xi32, #tpu.memory_space<hbm>> -> memref<64xi32, #tpu.memory_space<hbm>>
      %dma_wait3A_14 = tpu.memref_slice %arg2[%run_scoped3A, %mul3A_2] : memref<1x2048xi32, #tpu.memory_space<hbm>> -> memref<1x64xi32, #tpu.memory_space<hbm>>
      %dma_wait3A_15 = tpu.memref_squeeze %dma_wait3A_14 : memref<1x64xi32, #tpu.memory_space<hbm>> -> memref<64xi32, #tpu.memory_space<hbm>>
      tpu.wait_dma2 semaphore(%run_scoped3A_7 : memref<!tpu.dma_semaphore, #tpu.memory_space<semaphore_mem>>) src(%dma_wait3A_15 : memref<64xi32, #tpu.memory_space<hbm>>) dst(%arg5 : memref<64xi32, #tpu.memory_space<vmem>>)
      tpu.yield
    }) : () -> ()
    %dma_start3A = arith.constant 0 : i32
    %dma_start3A_3 = arith.constant 0 : i32
    %dma_start3A_4 = tpu.memref_slice %arg3[%dma_start3A, %dma_start3A_3] : memref<3072x768xf32, #tpu.memory_space<hbm>> -> memref<3072x768xf32, #tpu.memory_space<hbm>>
    tpu.enqueue_indirect_dma source(%dma_start3A_4 : memref<3072x768xf32, #tpu.memory_space<hbm>>) target(%arg6 : memref<64x768xf32, #tpu.memory_space<vmem>>) offsets(%arg5 : memref<64xi32, #tpu.memory_space<vmem>>) semaphore(%arg7 : memref<!tpu.dma_semaphore, #tpu.memory_space<semaphore_mem>>)
    %dma_wait3A = arith.constant 0 : i32
    %dma_wait3A_5 = arith.constant 0 : i32
    %dma_wait3A_6 = tpu.memref_slice %arg3[%dma_wait3A, %dma_wait3A_5] : memref<3072x768xf32, #tpu.memory_space<hbm>> -> memref<3072x768xf32, #tpu.memory_space<hbm>>
    tpu.wait_indirect_dma semaphore(%arg7 : memref<!tpu.dma_semaphore, #tpu.memory_space<semaphore_mem>>) src(%dma_wait3A_6 : memref<3072x768xf32, #tpu.memory_space<hbm>>) dst(%arg6 : memref<64x768xf32, #tpu.memory_space<vmem>>)
    "tpu.region"() ({
      %run_scoped3A_7 = tpu.sem_alloc : memref<!tpu.dma_semaphore, #tpu.memory_space<semaphore_mem>>
      %dma_start3A_8 = arith.constant 0 : i32
      %dma_start3A_9 = tpu.memref_slice %arg4[%mul3A_2, %dma_start3A_8] : memref<2048x768xf32, #tpu.memory_space<hbm>> -> memref<64x768xf32, #tpu.memory_space<hbm>>
      %dma_start3A_10 = arith.constant 0 : i32
      %dma_start3A_11 = tpu.memref_slice %arg4[%mul3A_2, %dma_start3A_10] : memref<2048x768xf32, #tpu.memory_space<hbm>> -> memref<64x768xf32, #tpu.memory_space<hbm>>
      tpu.enqueue_dma source(%arg6 : memref<64x768xf32, #tpu.memory_space<vmem>>) target(%dma_start3A_11 : memref<64x768xf32, #tpu.memory_space<hbm>>) target_semaphore(%run_scoped3A_7 : memref<!tpu.dma_semaphore, #tpu.memory_space<semaphore_mem>>)
      %dma_wait3A_12 = arith.constant 0 : i32
      %dma_wait3A_13 = tpu.memref_slice %arg4[%mul3A_2, %dma_wait3A_12] : memref<2048x768xf32, #tpu.memory_space<hbm>> -> memref<64x768xf32, #tpu.memory_space<hbm>>
      %dma_wait3A_14 = arith.constant 0 : i32
      %dma_wait3A_15 = tpu.memref_slice %arg4[%mul3A_2, %dma_wait3A_14] : memref<2048x768xf32, #tpu.memory_space<hbm>> -> memref<64x768xf32, #tpu.memory_space<hbm>>
      tpu.wait_dma2 semaphore(%run_scoped3A_7 : memref<!tpu.dma_semaphore, #tpu.memory_space<semaphore_mem>>) src(%arg6 : memref<64x768xf32, #tpu.memory_space<vmem>>) dst(%dma_wait3A_15 : memref<64x768xf32, #tpu.memory_space<hbm>>)
      tpu.yield
    }) : () -> ()
    return
  }
}

#map = affine_map<(d0, d1) -> (0, 0)>
module attributes {stable_mosaic.version = 14 : i64} {
  func.func @sc_scatter(%arg0: i32, %arg1: i32, %arg2: memref<1x2048xi32, #tpu.memory_space<hbm>>, %arg3: memref<2048x768xf32, #tpu.memory_space<hbm>>, %arg4: memref<2048x128xf32, #tpu.memory_space<hbm>>, %arg5: memref<3072x896xf32, #tpu.memory_space<hbm>>, %arg6: memref<64xi32, #tpu.memory_space<vmem>>, %arg7: memref<64x896xf32, #tpu.memory_space<vmem>>, %arg8: memref<!tpu.dma_semaphore, #tpu.memory_space<semaphore_mem>>, %arg9: memref<!tpu.dma_semaphore, #tpu.memory_space<semaphore_mem>>, %arg10: memref<!tpu.dma_semaphore, #tpu.memory_space<semaphore_mem>>) attributes {dimension_semantics = [#tpu.dimension_semantics<core_parallel>, #tpu.dimension_semantics<subcore_parallel>], iteration_bounds = array<i64: 2, 16>, scalar_prefetch = 0 : i64, scratch_operands = 5 : i64, tpu.core_type = #tpu.core_type<sc_vector_subcore>, window_params = [{transform_indices = #map}, {transform_indices = #map}, {transform_indices = #map}, {transform_indices = #map}]} {
    %mul3A = arith.constant 2 : i32
    %mul3A_0 = arith.muli %arg1, %mul3A : i32
    %add3A = arith.addi %mul3A_0, %arg0 : i32
    %mul3A_1 = arith.constant 64 : i32
    %mul3A_2 = arith.muli %add3A, %mul3A_1 : i32
    %dma_start3A = arith.constant 0 : i32
    %dma_start3A_3 = tpu.memref_slice %arg2[%dma_start3A, %mul3A_2] : memref<1x2048xi32, #tpu.memory_space<hbm>> -> memref<1x64xi32, #tpu.memory_space<hbm>>
    %dma_start3A_4 = tpu.memref_squeeze %dma_start3A_3 : memref<1x64xi32, #tpu.memory_space<hbm>> -> memref<64xi32, #tpu.memory_space<hbm>>
    %dma_start3A_5 = tpu.memref_slice %arg2[%dma_start3A, %mul3A_2] : memref<1x2048xi32, #tpu.memory_space<hbm>> -> memref<1x64xi32, #tpu.memory_space<hbm>>
    %dma_start3A_6 = tpu.memref_squeeze %dma_start3A_5 : memref<1x64xi32, #tpu.memory_space<hbm>> -> memref<64xi32, #tpu.memory_space<hbm>>
    tpu.enqueue_dma source(%dma_start3A_6 : memref<64xi32, #tpu.memory_space<hbm>>) target(%arg6 : memref<64xi32, #tpu.memory_space<vmem>>) target_semaphore(%arg8 : memref<!tpu.dma_semaphore, #tpu.memory_space<semaphore_mem>>)
    %dma_start3A_7 = arith.constant 0 : i32
    %dma_start3A_8 = arith.constant 0 : i32
    %dma_start3A_9 = tpu.memref_slice %arg7[%dma_start3A_7, %dma_start3A_8] : memref<64x896xf32, #tpu.memory_space<vmem>> -> memref<64x768xf32, #tpu.memory_space<vmem>>
    %dma_start3A_10 = arith.constant 0 : i32
    %dma_start3A_11 = tpu.memref_slice %arg3[%mul3A_2, %dma_start3A_10] : memref<2048x768xf32, #tpu.memory_space<hbm>> -> memref<64x768xf32, #tpu.memory_space<hbm>>
    %dma_start3A_12 = arith.constant 0 : i32
    %dma_start3A_13 = arith.constant 0 : i32
    %dma_start3A_14 = tpu.memref_slice %arg7[%dma_start3A_12, %dma_start3A_13] : memref<64x896xf32, #tpu.memory_space<vmem>> -> memref<64x768xf32, #tpu.memory_space<vmem>>
    %dma_start3A_15 = arith.constant 0 : i32
    %dma_start3A_16 = tpu.memref_slice %arg3[%mul3A_2, %dma_start3A_15] : memref<2048x768xf32, #tpu.memory_space<hbm>> -> memref<64x768xf32, #tpu.memory_space<hbm>>
    tpu.enqueue_dma source(%dma_start3A_16 : memref<64x768xf32, #tpu.memory_space<hbm>>) target(%dma_start3A_14 : memref<64x768xf32, #tpu.memory_space<vmem>>) target_semaphore(%arg9 : memref<!tpu.dma_semaphore, #tpu.memory_space<semaphore_mem>>)
    %dma_start3A_17 = arith.constant 0 : i32
    %dma_start3A_18 = arith.constant 768 : i32
    %dma_start3A_19 = tpu.memref_slice %arg7[%dma_start3A_17, %dma_start3A_18] : memref<64x896xf32, #tpu.memory_space<vmem>> -> memref<64x128xf32, #tpu.memory_space<vmem>>
    %dma_start3A_20 = arith.constant 0 : i32
    %dma_start3A_21 = tpu.memref_slice %arg4[%mul3A_2, %dma_start3A_20] : memref<2048x128xf32, #tpu.memory_space<hbm>> -> memref<64x128xf32, #tpu.memory_space<hbm>>
    %dma_start3A_22 = arith.constant 0 : i32
    %dma_start3A_23 = arith.constant 768 : i32
    %dma_start3A_24 = tpu.memref_slice %arg7[%dma_start3A_22, %dma_start3A_23] : memref<64x896xf32, #tpu.memory_space<vmem>> -> memref<64x128xf32, #tpu.memory_space<vmem>>
    %dma_start3A_25 = arith.constant 0 : i32
    %dma_start3A_26 = tpu.memref_slice %arg4[%mul3A_2, %dma_start3A_25] : memref<2048x128xf32, #tpu.memory_space<hbm>> -> memref<64x128xf32, #tpu.memory_space<hbm>>
    tpu.enqueue_dma source(%dma_start3A_26 : memref<64x128xf32, #tpu.memory_space<hbm>>) target(%dma_start3A_24 : memref<64x128xf32, #tpu.memory_space<vmem>>) target_semaphore(%arg10 : memref<!tpu.dma_semaphore, #tpu.memory_space<semaphore_mem>>)
    %dma_wait3A = arith.constant 0 : i32
    %dma_wait3A_27 = tpu.memref_slice %arg2[%dma_wait3A, %mul3A_2] : memref<1x2048xi32, #tpu.memory_space<hbm>> -> memref<1x64xi32, #tpu.memory_space<hbm>>
    %dma_wait3A_28 = tpu.memref_squeeze %dma_wait3A_27 : memref<1x64xi32, #tpu.memory_space<hbm>> -> memref<64xi32, #tpu.memory_space<hbm>>
    %dma_wait3A_29 = tpu.memref_slice %arg2[%dma_wait3A, %mul3A_2] : memref<1x2048xi32, #tpu.memory_space<hbm>> -> memref<1x64xi32, #tpu.memory_space<hbm>>
    %dma_wait3A_30 = tpu.memref_squeeze %dma_wait3A_29 : memref<1x64xi32, #tpu.memory_space<hbm>> -> memref<64xi32, #tpu.memory_space<hbm>>
    tpu.wait_dma2 semaphore(%arg8 : memref<!tpu.dma_semaphore, #tpu.memory_space<semaphore_mem>>) src(%dma_wait3A_30 : memref<64xi32, #tpu.memory_space<hbm>>) dst(%arg6 : memref<64xi32, #tpu.memory_space<vmem>>)
    %dma_wait3A_31 = arith.constant 0 : i32
    %dma_wait3A_32 = arith.constant 0 : i32
    %dma_wait3A_33 = tpu.memref_slice %arg7[%dma_wait3A_31, %dma_wait3A_32] : memref<64x896xf32, #tpu.memory_space<vmem>> -> memref<64x768xf32, #tpu.memory_space<vmem>>
    %dma_wait3A_34 = arith.constant 0 : i32
    %dma_wait3A_35 = tpu.memref_slice %arg3[%mul3A_2, %dma_wait3A_34] : memref<2048x768xf32, #tpu.memory_space<hbm>> -> memref<64x768xf32, #tpu.memory_space<hbm>>
    %dma_wait3A_36 = arith.constant 0 : i32
    %dma_wait3A_37 = arith.constant 0 : i32
    %dma_wait3A_38 = tpu.memref_slice %arg7[%dma_wait3A_36, %dma_wait3A_37] : memref<64x896xf32, #tpu.memory_space<vmem>> -> memref<64x768xf32, #tpu.memory_space<vmem>>
    %dma_wait3A_39 = arith.constant 0 : i32
    %dma_wait3A_40 = tpu.memref_slice %arg3[%mul3A_2, %dma_wait3A_39] : memref<2048x768xf32, #tpu.memory_space<hbm>> -> memref<64x768xf32, #tpu.memory_space<hbm>>
    tpu.wait_dma2 semaphore(%arg9 : memref<!tpu.dma_semaphore, #tpu.memory_space<semaphore_mem>>) src(%dma_wait3A_40 : memref<64x768xf32, #tpu.memory_space<hbm>>) dst(%dma_wait3A_38 : memref<64x768xf32, #tpu.memory_space<vmem>>)
    %dma_wait3A_41 = arith.constant 0 : i32
    %dma_wait3A_42 = arith.constant 768 : i32
    %dma_wait3A_43 = tpu.memref_slice %arg7[%dma_wait3A_41, %dma_wait3A_42] : memref<64x896xf32, #tpu.memory_space<vmem>> -> memref<64x128xf32, #tpu.memory_space<vmem>>
    %dma_wait3A_44 = arith.constant 0 : i32
    %dma_wait3A_45 = tpu.memref_slice %arg4[%mul3A_2, %dma_wait3A_44] : memref<2048x128xf32, #tpu.memory_space<hbm>> -> memref<64x128xf32, #tpu.memory_space<hbm>>
    %dma_wait3A_46 = arith.constant 0 : i32
    %dma_wait3A_47 = arith.constant 768 : i32
    %dma_wait3A_48 = tpu.memref_slice %arg7[%dma_wait3A_46, %dma_wait3A_47] : memref<64x896xf32, #tpu.memory_space<vmem>> -> memref<64x128xf32, #tpu.memory_space<vmem>>
    %dma_wait3A_49 = arith.constant 0 : i32
    %dma_wait3A_50 = tpu.memref_slice %arg4[%mul3A_2, %dma_wait3A_49] : memref<2048x128xf32, #tpu.memory_space<hbm>> -> memref<64x128xf32, #tpu.memory_space<hbm>>
    tpu.wait_dma2 semaphore(%arg10 : memref<!tpu.dma_semaphore, #tpu.memory_space<semaphore_mem>>) src(%dma_wait3A_50 : memref<64x128xf32, #tpu.memory_space<hbm>>) dst(%dma_wait3A_48 : memref<64x128xf32, #tpu.memory_space<vmem>>)
    %dma_start3A_51 = arith.constant 0 : i32
    %dma_start3A_52 = arith.constant 0 : i32
    %dma_start3A_53 = tpu.memref_slice %arg5[%dma_start3A_51, %dma_start3A_52] : memref<3072x896xf32, #tpu.memory_space<hbm>> -> memref<3072x896xf32, #tpu.memory_space<hbm>>
    tpu.enqueue_indirect_dma source(%arg7 : memref<64x896xf32, #tpu.memory_space<vmem>>) target(%dma_start3A_53 : memref<3072x896xf32, #tpu.memory_space<hbm>>) offsets(%arg6 : memref<64xi32, #tpu.memory_space<vmem>>) semaphore(%arg8 : memref<!tpu.dma_semaphore, #tpu.memory_space<semaphore_mem>>)
    %dma_wait3A_54 = arith.constant 0 : i32
    %dma_wait3A_55 = arith.constant 0 : i32
    %dma_wait3A_56 = tpu.memref_slice %arg5[%dma_wait3A_54, %dma_wait3A_55] : memref<3072x896xf32, #tpu.memory_space<hbm>> -> memref<3072x896xf32, #tpu.memory_space<hbm>>
    tpu.wait_indirect_dma semaphore(%arg8 : memref<!tpu.dma_semaphore, #tpu.memory_space<semaphore_mem>>) src(%arg7 : memref<64x896xf32, #tpu.memory_space<vmem>>) dst(%dma_wait3A_56 : memref<3072x896xf32, #tpu.memory_space<hbm>>)
    return
  }
}

module attributes {stable_mosaic.version = 14 : i64} {
  func.func @_ffn_kernel(%arg0: i32, %arg1: memref<32xi32, #tpu.memory_space<smem>>, %arg2: memref<128x896xf32, #tpu.memory_space<vmem>>, %arg3: memref<1x768x512xf32, #tpu.memory_space<vmem>>, %arg4: memref<1x768x512xf32, #tpu.memory_space<vmem>>, %arg5: memref<1x512x768xf32, #tpu.memory_space<vmem>>, %arg6: memref<128x768xf32, #tpu.memory_space<vmem>>) attributes {dimension_semantics = [#tpu.dimension_semantics<arbitrary>], iteration_bounds = array<i64: 24>, scalar_prefetch = 1 : i64, scratch_operands = 0 : i64, tpu.core_type = #tpu.core_type<tc>, window_params = [{transform_indices = @transform_0, window_bounds = array<i64: 128, 896>}, {transform_indices = @transform_1, window_bounds = array<i64: 1, 768, 512>}, {transform_indices = @transform_2, window_bounds = array<i64: 1, 768, 512>}, {transform_indices = @transform_3, window_bounds = array<i64: 1, 512, 768>}, {transform_indices = @transform_4, window_bounds = array<i64: 128, 768>}]} {
    %get3A = arith.constant 24 : index
    %get3A_0 = memref.load %arg1[%get3A] : memref<32xi32, #tpu.memory_space<smem>>
    %lt3A = arith.cmpi slt, %arg0, %get3A_0 : i32
    %convert_element_type3A = arith.extui %lt3A : i1 to i32
    %cond3A = arith.constant 0 : i32
    %cond3A_1 = arith.cmpi ne, %convert_element_type3A, %cond3A : i32
    scf.if %cond3A_1 {
      %get3A_2 = arith.constant 0 : index
      %get3A_3 = arith.constant 0 : index
      %get3A_4 = vector.load %arg2[%get3A_2, %get3A_3] : memref<128x896xf32, #tpu.memory_space<vmem>>, vector<128x768xf32>
      %get3A_5 = arith.constant 0 : index
      %get3A_6 = arith.constant 0 : index
      %get3A_7 = arith.constant 0 : index
      %get3A_8 = vector.load %arg3[%get3A_5, %get3A_6, %get3A_7] : memref<1x768x512xf32, #tpu.memory_space<vmem>>, vector<1x768x512xf32>
      %get3A_9 = vector.shape_cast %get3A_8 : vector<1x768x512xf32> to vector<768x512xf32>
      %dot_general3A = arith.constant dense<0.000000e+00> : vector<128x512xf32>
      %dot_general3A_10 = tpu.matmul %get3A_4, %get3A_9, %dot_general3A {dimension_numbers = #tpu.dot_dimension_numbers<[1], [0], [0], [1], [0, 0, 1, 1], [], []>, transpose_lhs_hint = false} : vector<128x768xf32>, vector<768x512xf32>, vector<128x512xf32> -> vector<128x512xf32>
      %get3A_11 = arith.constant 0 : index
      %get3A_12 = arith.constant 0 : index
      %get3A_13 = arith.constant 0 : index
      %get3A_14 = vector.load %arg4[%get3A_11, %get3A_12, %get3A_13] : memref<1x768x512xf32, #tpu.memory_space<vmem>>, vector<1x768x512xf32>
      %get3A_15 = vector.shape_cast %get3A_14 : vector<1x768x512xf32> to vector<768x512xf32>
      %dot_general3A_16 = arith.constant dense<0.000000e+00> : vector<128x512xf32>
      %dot_general3A_17 = tpu.matmul %get3A_4, %get3A_15, %dot_general3A_16 {dimension_numbers = #tpu.dot_dimension_numbers<[1], [0], [0], [1], [0, 0, 1, 1], [], []>, transpose_lhs_hint = false} : vector<128x768xf32>, vector<768x512xf32>, vector<128x512xf32> -> vector<128x512xf32>
      %mul3A = arith.mulf %dot_general3A_17, %dot_general3A_10 : vector<128x512xf32>
      %mul3A_18 = arith.constant 5.000000e-01 : f32
      %mul3A_19 = vector.broadcast %mul3A_18 : f32 to vector<128x512xf32>
      %mul3A_20 = arith.mulf %mul3A_19, %mul3A : vector<128x512xf32>
      %mul3A_21 = arith.constant 0.707106769 : f32
      %mul3A_22 = vector.broadcast %mul3A_21 : f32 to vector<128x512xf32>
      %mul3A_23 = arith.mulf %mul3A, %mul3A_22 : vector<128x512xf32>
      %erf3A = math.erf %mul3A_23 : vector<128x512xf32>
      %add3A = arith.constant 1.000000e+00 : f32
      %add3A_24 = vector.broadcast %add3A : f32 to vector<128x512xf32>
      %add3A_25 = arith.addf %add3A_24, %erf3A : vector<128x512xf32>
      %mul3A_26 = arith.mulf %mul3A_20, %add3A_25 : vector<128x512xf32>
      %get3A_27 = arith.constant 0 : index
      %get3A_28 = arith.constant 0 : index
      %get3A_29 = arith.constant 0 : index
      %get3A_30 = vector.load %arg5[%get3A_27, %get3A_28, %get3A_29] : memref<1x512x768xf32, #tpu.memory_space<vmem>>, vector<1x512x768xf32>
      %get3A_31 = vector.shape_cast %get3A_30 : vector<1x512x768xf32> to vector<512x768xf32>
      %dot_general3A_32 = arith.constant dense<0.000000e+00> : vector<128x768xf32>
      %dot_general3A_33 = tpu.matmul %mul3A_26, %get3A_31, %dot_general3A_32 {dimension_numbers = #tpu.dot_dimension_numbers<[1], [0], [0], [1], [0, 0, 1, 1], [], []>, transpose_lhs_hint = false} : vector<128x512xf32>, vector<512x768xf32>, vector<128x768xf32> -> vector<128x768xf32>
      %get3A_34 = arith.constant 0 : index
      %get3A_35 = arith.constant 768 : index
      %get3A_36 = vector.load %arg2[%get3A_34, %get3A_35] : memref<128x896xf32, #tpu.memory_space<vmem>>, vector<128x1xf32>
      %mul3A_37 = vector.broadcast %get3A_36 : vector<128x1xf32> to vector<128x768xf32>
      %mul3A_38 = arith.mulf %mul3A_37, %dot_general3A_33 : vector<128x768xf32>
      %sub3A = arith.constant 1.000000e+00 : f32
      %sub3A_39 = vector.broadcast %sub3A : f32 to vector<128x1xf32>
      %sub3A_40 = arith.subf %sub3A_39, %get3A_36 : vector<128x1xf32>
      %mul3A_41 = vector.broadcast %sub3A_40 : vector<128x1xf32> to vector<128x768xf32>
      %mul3A_42 = arith.mulf %mul3A_41, %get3A_4 : vector<128x768xf32>
      %add3A_43 = arith.addf %mul3A_38, %mul3A_42 : vector<128x768xf32>
      %swap3A = arith.constant 0 : index
      %swap3A_44 = arith.constant 0 : index
      %swap3A_45 = vector.load %arg6[%swap3A, %swap3A_44] : memref<128x768xf32, #tpu.memory_space<vmem>>, vector<128x768xf32>
      tpu.vector_store %arg6[%swap3A, %swap3A_44], %add3A_43 {strides = array<i32>} : memref<128x768xf32, #tpu.memory_space<vmem>>, vector<128x768xf32>,
    } else {
    }
    return
  }
  func.func @transform_0(%arg0: i32, %arg1: memref<32xi32, #tpu.memory_space<smem>>) -> (i32, i32) {
    %get3A = arith.constant 24 : index
    %get3A_0 = memref.load %arg1[%get3A] : memref<32xi32, #tpu.memory_space<smem>>
    %sub3A = arith.constant 1 : i32
    %sub3A_1 = arith.subi %get3A_0, %sub3A : i32
    %min3A = arith.minsi %arg0, %sub3A_1 : i32
    %c0_i32 = arith.constant 0 : i32
    %c0_i32_2 = arith.constant 0 : i32
    return %min3A, %c0_i32 : i32, i32
  }
  func.func @transform_1(%arg0: i32, %arg1: memref<32xi32, #tpu.memory_space<smem>>) -> (i32, i32, i32) {
    %get3A = arith.constant 24 : index
    %get3A_0 = memref.load %arg1[%get3A] : memref<32xi32, #tpu.memory_space<smem>>
    %sub3A = arith.constant 1 : i32
    %sub3A_1 = arith.subi %get3A_0, %sub3A : i32
    %min3A = arith.minsi %arg0, %sub3A_1 : i32
    %get3A_2 = arith.index_cast %min3A : i32 to index
    %get3A_3 = memref.load %arg1[%get3A_2] : memref<32xi32, #tpu.memory_space<smem>>
    %c0_i32 = arith.constant 0 : i32
    %c0_i32_4 = arith.constant 0 : i32
    %c0_i32_5 = arith.constant 0 : i32
    return %get3A_3, %c0_i32, %c0_i32_4 : i32, i32, i32
  }
  func.func @transform_2(%arg0: i32, %arg1: memref<32xi32, #tpu.memory_space<smem>>) -> (i32, i32, i32) {
    %get3A = arith.constant 24 : index
    %get3A_0 = memref.load %arg1[%get3A] : memref<32xi32, #tpu.memory_space<smem>>
    %sub3A = arith.constant 1 : i32
    %sub3A_1 = arith.subi %get3A_0, %sub3A : i32
    %min3A = arith.minsi %arg0, %sub3A_1 : i32
    %get3A_2 = arith.index_cast %min3A : i32 to index
    %get3A_3 = memref.load %arg1[%get3A_2] : memref<32xi32, #tpu.memory_space<smem>>
    %c0_i32 = arith.constant 0 : i32
    %c0_i32_4 = arith.constant 0 : i32
    %c0_i32_5 = arith.constant 0 : i32
    return %get3A_3, %c0_i32, %c0_i32_4 : i32, i32, i32
  }
  func.func @transform_3(%arg0: i32, %arg1: memref<32xi32, #tpu.memory_space<smem>>) -> (i32, i32, i32) {
    %get3A = arith.constant 24 : index
    %get3A_0 = memref.load %arg1[%get3A] : memref<32xi32, #tpu.memory_space<smem>>
    %sub3A = arith.constant 1 : i32
    %sub3A_1 = arith.subi %get3A_0, %sub3A : i32
    %min3A = arith.minsi %arg0, %sub3A_1 : i32
    %get3A_2 = arith.index_cast %min3A : i32 to index
    %get3A_3 = memref.load %arg1[%get3A_2] : memref<32xi32, #tpu.memory_space<smem>>
    %c0_i32 = arith.constant 0 : i32
    %c0_i32_4 = arith.constant 0 : i32
    %c0_i32_5 = arith.constant 0 : i32
    return %get3A_3, %c0_i32, %c0_i32_4 : i32, i32, i32
  }
  func.func @transform_4(%arg0: i32, %arg1: memref<32xi32, #tpu.memory_space<smem>>) -> (i32, i32) {
    %get3A = arith.constant 24 : index
    %get3A_0 = memref.load %arg1[%get3A] : memref<32xi32, #tpu.memory_space<smem>>
    %sub3A = arith.constant 1 : i32
    %sub3A_1 = arith.subi %get3A_0, %sub3A : i32
    %min3A = arith.minsi %arg0, %sub3A_1 : i32
    %c0_i32 = arith.constant 0 : i32
    %c0_i32_2 = arith.constant 0 : i32
    return %min3A, %c0_i32 : i32, i32
  }
}

module attributes {stable_mosaic.version = 14 : i64} {
  func.func @_route_kernel(%arg0: memref<2048x768xf32, #tpu.memory_space<vmem>>, %arg1: memref<768x8xf32, #tpu.memory_space<vmem>>, %arg2: memref<8x1xf32, #tpu.memory_space<vmem>>, %arg3: memref<1x2048xi32, #tpu.memory_space<vmem>>, %arg4: memref<2048x128xf32, #tpu.memory_space<vmem>>, %arg5: memref<1x32xi32, #tpu.memory_space<vmem>>) attributes {dimension_semantics = [], scalar_prefetch = 0 : i64, scratch_operands = 0 : i64, tpu.core_type = #tpu.core_type<tc>} {
    %get3A = arith.constant 0 : index
    %get3A_0 = arith.constant 0 : index
    %get3A_1 = vector.load %arg1[%get3A, %get3A_0] : memref<768x8xf32, #tpu.memory_space<vmem>>, vector<768x8xf32>
    %get3A_2 = arith.constant 0 : index
    %get3A_3 = arith.constant 0 : index
    %get3A_4 = vector.load %arg0[%get3A_2, %get3A_3] : memref<2048x768xf32, #tpu.memory_space<vmem>>, vector<2048x768xf32>
    %dot_general3A = arith.constant dense<0.000000e+00> : vector<8x2048xf32>
    %dot_general3A_5 = tpu.matmul %get3A_1, %get3A_4, %dot_general3A {dimension_numbers = #tpu.dot_dimension_numbers<[0], [1], [1], [0], [0, 1, 1, 0], [], []>, transpose_lhs_hint = false} : vector<768x8xf32>, vector<2048x768xf32>, vector<8x2048xf32> -> vector<8x2048xf32>
    %get3A_6 = arith.constant 0 : index
    %get3A_7 = arith.constant 0 : index
    %get3A_8 = vector.load %arg2[%get3A_6, %get3A_7] : memref<8x1xf32, #tpu.memory_space<vmem>>, vector<8x1xf32>
    %add3A = vector.broadcast %get3A_8 : vector<8x1xf32> to vector<8x2048xf32>
    %add3A_9 = arith.addf %dot_general3A_5, %add3A : vector<8x2048xf32>
    %iota3A = tpu.iota {dimensions = array<i32: 0>} : vector<8x2048xi32>
    %reduce_max3A = arith.constant dense<0xFF800000> : vector<2048xf32>
    %reduce_max3A_10 = vector.multi_reduction <maximumf>, %add3A_9, %reduce_max3A [0] : vector<8x2048xf32> to vector<2048xf32>
    %broadcast_in_dim3A = vector.shape_cast %reduce_max3A_10 : vector<2048xf32> to vector<1x2048xf32>
    %eq3A = vector.broadcast %broadcast_in_dim3A : vector<1x2048xf32> to vector<8x2048xf32>
    %eq3A_11 = arith.cmpf oeq, %add3A_9, %eq3A : vector<8x2048xf32>
    %jit3A = arith.constant 8 : i32
    %broadcast_in_dim3A_12 = vector.broadcast %jit3A : i32 to vector<8x2048xi32>
    %select_n3A = arith.select %eq3A_11, %iota3A, %broadcast_in_dim3A_12 : vector<8x2048xi1>, vector<8x2048xi32>
    %reduce_min3A = arith.constant dense<2147483647> : vector<2048xi32>
    %reduce_min3A_13 = vector.multi_reduction <minsi>, %select_n3A, %reduce_min3A [0] : vector<8x2048xi32> to vector<2048xi32>
    %broadcast_in_dim3A_14 = vector.shape_cast %reduce_min3A_13 : vector<2048xi32> to vector<1x2048xi32>
    %eq3A_15 = vector.broadcast %broadcast_in_dim3A_14 : vector<1x2048xi32> to vector<8x2048xi32>
    %eq3A_16 = arith.cmpi eq, %iota3A, %eq3A_15 : vector<8x2048xi32>
    %jit3A_17 = arith.constant 0xFF800000 : f32
    %broadcast_in_dim3A_18 = vector.broadcast %jit3A_17 : f32 to vector<8x2048xf32>
    %select_n3A_19 = arith.select %eq3A_16, %broadcast_in_dim3A_18, %add3A_9 : vector<8x2048xi1>, vector<8x2048xf32>
    %reduce_max3A_20 = arith.constant dense<0xFF800000> : vector<2048xf32>
    %reduce_max3A_21 = vector.multi_reduction <maximumf>, %select_n3A_19, %reduce_max3A_20 [0] : vector<8x2048xf32> to vector<2048xf32>
    %broadcast_in_dim3A_22 = vector.shape_cast %reduce_max3A_21 : vector<2048xf32> to vector<1x2048xf32>
    %eq3A_23 = vector.broadcast %broadcast_in_dim3A_22 : vector<1x2048xf32> to vector<8x2048xf32>
    %eq3A_24 = arith.cmpf oeq, %select_n3A_19, %eq3A_23 : vector<8x2048xf32>
    %jit3A_25 = arith.constant 8 : i32
    %broadcast_in_dim3A_26 = vector.broadcast %jit3A_25 : i32 to vector<8x2048xi32>
    %select_n3A_27 = arith.select %eq3A_24, %iota3A, %broadcast_in_dim3A_26 : vector<8x2048xi1>, vector<8x2048xi32>
    %reduce_min3A_28 = arith.constant dense<2147483647> : vector<2048xi32>
    %reduce_min3A_29 = vector.multi_reduction <minsi>, %select_n3A_27, %reduce_min3A_28 [0] : vector<8x2048xi32> to vector<2048xi32>
    %broadcast_in_dim3A_30 = vector.shape_cast %reduce_min3A_29 : vector<2048xi32> to vector<1x2048xi32>
    %sub3A = arith.subf %broadcast_in_dim3A_22, %broadcast_in_dim3A : vector<1x2048xf32>
    %exp3A = math.exp %sub3A : vector<1x2048xf32>
    %add3A_31 = arith.constant 1.000000e+00 : f32
    %add3A_32 = vector.broadcast %add3A_31 : f32 to vector<1x2048xf32>
    %add3A_33 = arith.addf %add3A_32, %exp3A : vector<1x2048xf32>
    %div3A = arith.constant 1.000000e+00 : f32
    %div3A_34 = vector.broadcast %div3A : f32 to vector<1x2048xf32>
    %div3A_35 = arith.divf %div3A_34, %add3A_33 : vector<1x2048xf32>
    %sub3A_36 = arith.constant 1.000000e+00 : f32
    %sub3A_37 = vector.broadcast %sub3A_36 : f32 to vector<1x2048xf32>
    %sub3A_38 = arith.subf %sub3A_37, %div3A_35 : vector<1x2048xf32>
    %eq3A_39 = vector.broadcast %broadcast_in_dim3A_14 : vector<1x2048xi32> to vector<8x2048xi32>
    %eq3A_40 = arith.cmpi eq, %iota3A, %eq3A_39 : vector<8x2048xi32>
    %convert_element_type3A = arith.extui %eq3A_40 : vector<8x2048xi1> to vector<8x2048xi32>
    %convert_element_type3A_41 = arith.sitofp %convert_element_type3A : vector<8x2048xi32> to vector<8x2048xf32>
    %eq3A_42 = vector.broadcast %broadcast_in_dim3A_30 : vector<1x2048xi32> to vector<8x2048xi32>
    %eq3A_43 = arith.cmpi eq, %iota3A, %eq3A_42 : vector<8x2048xi32>
    %convert_element_type3A_44 = arith.extui %eq3A_43 : vector<8x2048xi1> to vector<8x2048xi32>
    %convert_element_type3A_45 = arith.sitofp %convert_element_type3A_44 : vector<8x2048xi32> to vector<8x2048xf32>
    %broadcast_in_dim3A_46 = arith.constant 0.000000e+00 : f32
    %broadcast_in_dim3A_47 = vector.broadcast %broadcast_in_dim3A_46 : f32 to vector<8x1xf32>
    %slice3A = vector.extract_strided_slice %convert_element_type3A_41 {offsets = [0, 0], sizes = [8, 2047], strides = [1, 1]} : vector<8x2048xf32> to vector<8x2047xf32>
    %concatenate3A = tpu.concatenate %broadcast_in_dim3A_47, %slice3A in 1 : vector<8x1xf32>, vector<8x2047xf32> -> vector<8x2048xf32>
    %add3A_48 = arith.addf %convert_element_type3A_41, %concatenate3A : vector<8x2048xf32>
    %broadcast_in_dim3A_49 = arith.constant 0.000000e+00 : f32
    %broadcast_in_dim3A_50 = vector.broadcast %broadcast_in_dim3A_49 : f32 to vector<8x2xf32>
    %slice3A_51 = vector.extract_strided_slice %add3A_48 {offsets = [0, 0], sizes = [8, 2046], strides = [1, 1]} : vector<8x2048xf32> to vector<8x2046xf32>
    %concatenate3A_52 = tpu.concatenate %broadcast_in_dim3A_50, %slice3A_51 in 1 : vector<8x2xf32>, vector<8x2046xf32> -> vector<8x2048xf32>
    %add3A_53 = arith.addf %add3A_48, %concatenate3A_52 : vector<8x2048xf32>
    %broadcast_in_dim3A_54 = arith.constant 0.000000e+00 : f32
    %broadcast_in_dim3A_55 = vector.broadcast %broadcast_in_dim3A_54 : f32 to vector<8x4xf32>
    %slice3A_56 = vector.extract_strided_slice %add3A_53 {offsets = [0, 0], sizes = [8, 2044], strides = [1, 1]} : vector<8x2048xf32> to vector<8x2044xf32>
    %concatenate3A_57 = tpu.concatenate %broadcast_in_dim3A_55, %slice3A_56 in 1 : vector<8x4xf32>, vector<8x2044xf32> -> vector<8x2048xf32>
    %add3A_58 = arith.addf %add3A_53, %concatenate3A_57 : vector<8x2048xf32>
    %broadcast_in_dim3A_59 = arith.constant 0.000000e+00 : f32
    %broadcast_in_dim3A_60 = vector.broadcast %broadcast_in_dim3A_59 : f32 to vector<8x8xf32>
    %slice3A_61 = vector.extract_strided_slice %add3A_58 {offsets = [0, 0], sizes = [8, 2040], strides = [1, 1]} : vector<8x2048xf32> to vector<8x2040xf32>
    %concatenate3A_62 = tpu.concatenate %broadcast_in_dim3A_60, %slice3A_61 in 1 : vector<8x8xf32>, vector<8x2040xf32> -> vector<8x2048xf32>
    %add3A_63 = arith.addf %add3A_58, %concatenate3A_62 : vector<8x2048xf32>
    %broadcast_in_dim3A_64 = arith.constant 0.000000e+00 : f32
    %broadcast_in_dim3A_65 = vector.broadcast %broadcast_in_dim3A_64 : f32 to vector<8x16xf32>
    %slice3A_66 = vector.extract_strided_slice %add3A_63 {offsets = [0, 0], sizes = [8, 2032], strides = [1, 1]} : vector<8x2048xf32> to vector<8x2032xf32>
    %concatenate3A_67 = tpu.concatenate %broadcast_in_dim3A_65, %slice3A_66 in 1 : vector<8x16xf32>, vector<8x2032xf32> -> vector<8x2048xf32>
    %add3A_68 = arith.addf %add3A_63, %concatenate3A_67 : vector<8x2048xf32>
    %broadcast_in_dim3A_69 = arith.constant 0.000000e+00 : f32
    %broadcast_in_dim3A_70 = vector.broadcast %broadcast_in_dim3A_69 : f32 to vector<8x32xf32>
    %slice3A_71 = vector.extract_strided_slice %add3A_68 {offsets = [0, 0], sizes = [8, 2016], strides = [1, 1]} : vector<8x2048xf32> to vector<8x2016xf32>
    %concatenate3A_72 = tpu.concatenate %broadcast_in_dim3A_70, %slice3A_71 in 1 : vector<8x32xf32>, vector<8x2016xf32> -> vector<8x2048xf32>
    %add3A_73 = arith.addf %add3A_68, %concatenate3A_72 : vector<8x2048xf32>
    %broadcast_in_dim3A_74 = arith.constant 0.000000e+00 : f32
    %broadcast_in_dim3A_75 = vector.broadcast %broadcast_in_dim3A_74 : f32 to vector<8x64xf32>
    %slice3A_76 = vector.extract_strided_slice %add3A_73 {offsets = [0, 0], sizes = [8, 1984], strides = [1, 1]} : vector<8x2048xf32> to vector<8x1984xf32>
    %concatenate3A_77 = tpu.concatenate %broadcast_in_dim3A_75, %slice3A_76 in 1 : vector<8x64xf32>, vector<8x1984xf32> -> vector<8x2048xf32>
    %add3A_78 = arith.addf %add3A_73, %concatenate3A_77 : vector<8x2048xf32>
    %broadcast_in_dim3A_79 = arith.constant 0.000000e+00 : f32
    %broadcast_in_dim3A_80 = vector.broadcast %broadcast_in_dim3A_79 : f32 to vector<8x128xf32>
    %slice3A_81 = vector.extract_strided_slice %add3A_78 {offsets = [0, 0], sizes = [8, 1920], strides = [1, 1]} : vector<8x2048xf32> to vector<8x1920xf32>
    %concatenate3A_82 = tpu.concatenate %broadcast_in_dim3A_80, %slice3A_81 in 1 : vector<8x128xf32>, vector<8x1920xf32> -> vector<8x2048xf32>
    %add3A_83 = arith.addf %add3A_78, %concatenate3A_82 : vector<8x2048xf32>
    %broadcast_in_dim3A_84 = arith.constant 0.000000e+00 : f32
    %broadcast_in_dim3A_85 = vector.broadcast %broadcast_in_dim3A_84 : f32 to vector<8x256xf32>
    %slice3A_86 = vector.extract_strided_slice %add3A_83 {offsets = [0, 0], sizes = [8, 1792], strides = [1, 1]} : vector<8x2048xf32> to vector<8x1792xf32>
    %concatenate3A_87 = tpu.concatenate %broadcast_in_dim3A_85, %slice3A_86 in 1 : vector<8x256xf32>, vector<8x1792xf32> -> vector<8x2048xf32>
    %add3A_88 = arith.addf %add3A_83, %concatenate3A_87 : vector<8x2048xf32>
    %broadcast_in_dim3A_89 = arith.constant 0.000000e+00 : f32
    %broadcast_in_dim3A_90 = vector.broadcast %broadcast_in_dim3A_89 : f32 to vector<8x512xf32>
    %slice3A_91 = vector.extract_strided_slice %add3A_88 {offsets = [0, 0], sizes = [8, 1536], strides = [1, 1]} : vector<8x2048xf32> to vector<8x1536xf32>
    %concatenate3A_92 = tpu.concatenate %broadcast_in_dim3A_90, %slice3A_91 in 1 : vector<8x512xf32>, vector<8x1536xf32> -> vector<8x2048xf32>
    %add3A_93 = arith.addf %add3A_88, %concatenate3A_92 : vector<8x2048xf32>
    %broadcast_in_dim3A_94 = arith.constant 0.000000e+00 : f32
    %broadcast_in_dim3A_95 = vector.broadcast %broadcast_in_dim3A_94 : f32 to vector<8x1024xf32>
    %slice3A_96 = vector.extract_strided_slice %add3A_93 {offsets = [0, 0], sizes = [8, 1024], strides = [1, 1]} : vector<8x2048xf32> to vector<8x1024xf32>
    %concatenate3A_97 = tpu.concatenate %broadcast_in_dim3A_95, %slice3A_96 in 1 : vector<8x1024xf32>, vector<8x1024xf32> -> vector<8x2048xf32>
    %add3A_98 = arith.addf %add3A_93, %concatenate3A_97 : vector<8x2048xf32>
    %broadcast_in_dim3A_99 = arith.constant 0.000000e+00 : f32
    %broadcast_in_dim3A_100 = vector.broadcast %broadcast_in_dim3A_99 : f32 to vector<8x1xf32>
    %slice3A_101 = vector.extract_strided_slice %convert_element_type3A_45 {offsets = [0, 0], sizes = [8, 2047], strides = [1, 1]} : vector<8x2048xf32> to vector<8x2047xf32>
    %concatenate3A_102 = tpu.concatenate %broadcast_in_dim3A_100, %slice3A_101 in 1 : vector<8x1xf32>, vector<8x2047xf32> -> vector<8x2048xf32>
    %add3A_103 = arith.addf %convert_element_type3A_45, %concatenate3A_102 : vector<8x2048xf32>
    %broadcast_in_dim3A_104 = arith.constant 0.000000e+00 : f32
    %broadcast_in_dim3A_105 = vector.broadcast %broadcast_in_dim3A_104 : f32 to vector<8x2xf32>
    %slice3A_106 = vector.extract_strided_slice %add3A_103 {offsets = [0, 0], sizes = [8, 2046], strides = [1, 1]} : vector<8x2048xf32> to vector<8x2046xf32>
    %concatenate3A_107 = tpu.concatenate %broadcast_in_dim3A_105, %slice3A_106 in 1 : vector<8x2xf32>, vector<8x2046xf32> -> vector<8x2048xf32>
    %add3A_108 = arith.addf %add3A_103, %concatenate3A_107 : vector<8x2048xf32>
    %broadcast_in_dim3A_109 = arith.constant 0.000000e+00 : f32
    %broadcast_in_dim3A_110 = vector.broadcast %broadcast_in_dim3A_109 : f32 to vector<8x4xf32>
    %slice3A_111 = vector.extract_strided_slice %add3A_108 {offsets = [0, 0], sizes = [8, 2044], strides = [1, 1]} : vector<8x2048xf32> to vector<8x2044xf32>
    %concatenate3A_112 = tpu.concatenate %broadcast_in_dim3A_110, %slice3A_111 in 1 : vector<8x4xf32>, vector<8x2044xf32> -> vector<8x2048xf32>
    %add3A_113 = arith.addf %add3A_108, %concatenate3A_112 : vector<8x2048xf32>
    %broadcast_in_dim3A_114 = arith.constant 0.000000e+00 : f32
    %broadcast_in_dim3A_115 = vector.broadcast %broadcast_in_dim3A_114 : f32 to vector<8x8xf32>
    %slice3A_116 = vector.extract_strided_slice %add3A_113 {offsets = [0, 0], sizes = [8, 2040], strides = [1, 1]} : vector<8x2048xf32> to vector<8x2040xf32>
    %concatenate3A_117 = tpu.concatenate %broadcast_in_dim3A_115, %slice3A_116 in 1 : vector<8x8xf32>, vector<8x2040xf32> -> vector<8x2048xf32>
    %add3A_118 = arith.addf %add3A_113, %concatenate3A_117 : vector<8x2048xf32>
    %broadcast_in_dim3A_119 = arith.constant 0.000000e+00 : f32
    %broadcast_in_dim3A_120 = vector.broadcast %broadcast_in_dim3A_119 : f32 to vector<8x16xf32>
    %slice3A_121 = vector.extract_strided_slice %add3A_118 {offsets = [0, 0], sizes = [8, 2032], strides = [1, 1]} : vector<8x2048xf32> to vector<8x2032xf32>
    %concatenate3A_122 = tpu.concatenate %broadcast_in_dim3A_120, %slice3A_121 in 1 : vector<8x16xf32>, vector<8x2032xf32> -> vector<8x2048xf32>
    %add3A_123 = arith.addf %add3A_118, %concatenate3A_122 : vector<8x2048xf32>
    %broadcast_in_dim3A_124 = arith.constant 0.000000e+00 : f32
    %broadcast_in_dim3A_125 = vector.broadcast %broadcast_in_dim3A_124 : f32 to vector<8x32xf32>
    %slice3A_126 = vector.extract_strided_slice %add3A_123 {offsets = [0, 0], sizes = [8, 2016], strides = [1, 1]} : vector<8x2048xf32> to vector<8x2016xf32>
    %concatenate3A_127 = tpu.concatenate %broadcast_in_dim3A_125, %slice3A_126 in 1 : vector<8x32xf32>, vector<8x2016xf32> -> vector<8x2048xf32>
    %add3A_128 = arith.addf %add3A_123, %concatenate3A_127 : vector<8x2048xf32>
    %broadcast_in_dim3A_129 = arith.constant 0.000000e+00 : f32
    %broadcast_in_dim3A_130 = vector.broadcast %broadcast_in_dim3A_129 : f32 to vector<8x64xf32>
    %slice3A_131 = vector.extract_strided_slice %add3A_128 {offsets = [0, 0], sizes = [8, 1984], strides = [1, 1]} : vector<8x2048xf32> to vector<8x1984xf32>
    %concatenate3A_132 = tpu.concatenate %broadcast_in_dim3A_130, %slice3A_131 in 1 : vector<8x64xf32>, vector<8x1984xf32> -> vector<8x2048xf32>
    %add3A_133 = arith.addf %add3A_128, %concatenate3A_132 : vector<8x2048xf32>
    %broadcast_in_dim3A_134 = arith.constant 0.000000e+00 : f32
    %broadcast_in_dim3A_135 = vector.broadcast %broadcast_in_dim3A_134 : f32 to vector<8x128xf32>
    %slice3A_136 = vector.extract_strided_slice %add3A_133 {offsets = [0, 0], sizes = [8, 1920], strides = [1, 1]} : vector<8x2048xf32> to vector<8x1920xf32>
    %concatenate3A_137 = tpu.concatenate %broadcast_in_dim3A_135, %slice3A_136 in 1 : vector<8x128xf32>, vector<8x1920xf32> -> vector<8x2048xf32>
    %add3A_138 = arith.addf %add3A_133, %concatenate3A_137 : vector<8x2048xf32>
    %broadcast_in_dim3A_139 = arith.constant 0.000000e+00 : f32
    %broadcast_in_dim3A_140 = vector.broadcast %broadcast_in_dim3A_139 : f32 to vector<8x256xf32>
    %slice3A_141 = vector.extract_strided_slice %add3A_138 {offsets = [0, 0], sizes = [8, 1792], strides = [1, 1]} : vector<8x2048xf32> to vector<8x1792xf32>
    %concatenate3A_142 = tpu.concatenate %broadcast_in_dim3A_140, %slice3A_141 in 1 : vector<8x256xf32>, vector<8x1792xf32> -> vector<8x2048xf32>
    %add3A_143 = arith.addf %add3A_138, %concatenate3A_142 : vector<8x2048xf32>
    %broadcast_in_dim3A_144 = arith.constant 0.000000e+00 : f32
    %broadcast_in_dim3A_145 = vector.broadcast %broadcast_in_dim3A_144 : f32 to vector<8x512xf32>
    %slice3A_146 = vector.extract_strided_slice %add3A_143 {offsets = [0, 0], sizes = [8, 1536], strides = [1, 1]} : vector<8x2048xf32> to vector<8x1536xf32>
    %concatenate3A_147 = tpu.concatenate %broadcast_in_dim3A_145, %slice3A_146 in 1 : vector<8x512xf32>, vector<8x1536xf32> -> vector<8x2048xf32>
    %add3A_148 = arith.addf %add3A_143, %concatenate3A_147 : vector<8x2048xf32>
    %broadcast_in_dim3A_149 = arith.constant 0.000000e+00 : f32
    %broadcast_in_dim3A_150 = vector.broadcast %broadcast_in_dim3A_149 : f32 to vector<8x1024xf32>
    %slice3A_151 = vector.extract_strided_slice %add3A_148 {offsets = [0, 0], sizes = [8, 1024], strides = [1, 1]} : vector<8x2048xf32> to vector<8x1024xf32>
    %concatenate3A_152 = tpu.concatenate %broadcast_in_dim3A_150, %slice3A_151 in 1 : vector<8x1024xf32>, vector<8x1024xf32> -> vector<8x2048xf32>
    %add3A_153 = arith.addf %add3A_148, %concatenate3A_152 : vector<8x2048xf32>
    %mul3A = arith.mulf %add3A_98, %convert_element_type3A_41 : vector<8x2048xf32>
    %reduce_sum3A = arith.constant dense<0.000000e+00> : vector<2048xf32>
    %reduce_sum3A_154 = vector.multi_reduction <add>, %mul3A, %reduce_sum3A [0] : vector<8x2048xf32> to vector<2048xf32>
    %broadcast_in_dim3A_155 = vector.shape_cast %reduce_sum3A_154 : vector<2048xf32> to vector<1x2048xf32>
    %add3A_156 = arith.addf %add3A_98, %add3A_153 : vector<8x2048xf32>
    %mul3A_157 = arith.mulf %add3A_156, %convert_element_type3A_45 : vector<8x2048xf32>
    %reduce_sum3A_158 = arith.constant dense<0.000000e+00> : vector<2048xf32>
    %reduce_sum3A_159 = vector.multi_reduction <add>, %mul3A_157, %reduce_sum3A_158 [0] : vector<8x2048xf32> to vector<2048xf32>
    %broadcast_in_dim3A_160 = vector.shape_cast %reduce_sum3A_159 : vector<2048xf32> to vector<1x2048xf32>
    %lt3A = arith.constant 1.024000e+03 : f32
    %lt3A_161 = vector.broadcast %lt3A : f32 to vector<1x2048xf32>
    %lt3A_162 = arith.cmpf olt, %broadcast_in_dim3A_155, %lt3A_161 : vector<1x2048xf32>
    %lt3A_163 = arith.constant 1.024000e+03 : f32
    %lt3A_164 = vector.broadcast %lt3A_163 : f32 to vector<1x2048xf32>
    %lt3A_165 = arith.cmpf olt, %broadcast_in_dim3A_160, %lt3A_164 : vector<1x2048xf32>
    %jit3A_166 = arith.constant 0.000000e+00 : f32
    %broadcast_in_dim3A_167 = vector.broadcast %jit3A_166 : f32 to vector<1x2048xf32>
    %select_n3A_168 = arith.select %lt3A_162, %div3A_35, %broadcast_in_dim3A_167 : vector<1x2048xi1>, vector<1x2048xf32>
    %jit3A_169 = arith.constant 0.000000e+00 : f32
    %broadcast_in_dim3A_170 = vector.broadcast %jit3A_169 : f32 to vector<1x2048xf32>
    %select_n3A_171 = arith.select %lt3A_165, %sub3A_38, %broadcast_in_dim3A_170 : vector<1x2048xi1>, vector<1x2048xf32>
    %add3A_172 = arith.addf %select_n3A_168, %select_n3A_171 : vector<1x2048xf32>
    %transpose3A = tpu.transpose %add3A_172, [1, 0] : vector<1x2048xf32> -> vector<2048x1xf32>
    %broadcast_in_dim3A_173 = vector.shape_cast %transpose3A : vector<2048x1xf32> to vector<2048x1xf32>
    %broadcast_in_dim3A_174 = vector.broadcast %broadcast_in_dim3A_173 : vector<2048x1xf32> to vector<2048x128xf32>
    %swap3A = arith.constant 0 : index
    %swap3A_175 = arith.constant 0 : index
    %swap3A_176 = vector.load %arg4[%swap3A, %swap3A_175] : memref<2048x128xf32, #tpu.memory_space<vmem>>, vector<2048x128xf32>
    tpu.vector_store %arg4[%swap3A, %swap3A_175], %broadcast_in_dim3A_174 {strides = array<i32>} : memref<2048x128xf32, #tpu.memory_space<vmem>>, vector<2048x128xf32>,
    %jit3A_177 = arith.constant 0 : i32
    %broadcast_in_dim3A_178 = vector.broadcast %jit3A_177 : i32 to vector<1x2048xi32>
    %select_n3A_179 = arith.select %lt3A_162, %broadcast_in_dim3A_14, %broadcast_in_dim3A_178 : vector<1x2048xi1>, vector<1x2048xi32>
    %jit3A_180 = arith.constant 0 : i32
    %broadcast_in_dim3A_181 = vector.broadcast %jit3A_180 : i32 to vector<1x2048xi32>
    %select_n3A_182 = arith.select %lt3A_165, %broadcast_in_dim3A_30, %broadcast_in_dim3A_181 : vector<1x2048xi1>, vector<1x2048xi32>
    %max3A = arith.maxsi %select_n3A_179, %select_n3A_182 : vector<1x2048xi32>
    %eq3A_183 = vector.broadcast %max3A : vector<1x2048xi32> to vector<8x2048xi32>
    %eq3A_184 = arith.cmpi eq, %iota3A, %eq3A_183 : vector<8x2048xi32>
    %convert_element_type3A_185 = arith.extui %eq3A_184 : vector<8x2048xi1> to vector<8x2048xi32>
    %convert_element_type3A_186 = arith.sitofp %convert_element_type3A_185 : vector<8x2048xi32> to vector<8x2048xf32>
    %broadcast_in_dim3A_187 = arith.constant 0.000000e+00 : f32
    %broadcast_in_dim3A_188 = vector.broadcast %broadcast_in_dim3A_187 : f32 to vector<8x1xf32>
    %slice3A_189 = vector.extract_strided_slice %convert_element_type3A_186 {offsets = [0, 0], sizes = [8, 2047], strides = [1, 1]} : vector<8x2048xf32> to vector<8x2047xf32>
    %concatenate3A_190 = tpu.concatenate %broadcast_in_dim3A_188, %slice3A_189 in 1 : vector<8x1xf32>, vector<8x2047xf32> -> vector<8x2048xf32>
    %add3A_191 = arith.addf %convert_element_type3A_186, %concatenate3A_190 : vector<8x2048xf32>
    %broadcast_in_dim3A_192 = arith.constant 0.000000e+00 : f32
    %broadcast_in_dim3A_193 = vector.broadcast %broadcast_in_dim3A_192 : f32 to vector<8x2xf32>
    %slice3A_194 = vector.extract_strided_slice %add3A_191 {offsets = [0, 0], sizes = [8, 2046], strides = [1, 1]} : vector<8x2048xf32> to vector<8x2046xf32>
    %concatenate3A_195 = tpu.concatenate %broadcast_in_dim3A_193, %slice3A_194 in 1 : vector<8x2xf32>, vector<8x2046xf32> -> vector<8x2048xf32>
    %add3A_196 = arith.addf %add3A_191, %concatenate3A_195 : vector<8x2048xf32>
    %broadcast_in_dim3A_197 = arith.constant 0.000000e+00 : f32
    %broadcast_in_dim3A_198 = vector.broadcast %broadcast_in_dim3A_197 : f32 to vector<8x4xf32>
    %slice3A_199 = vector.extract_strided_slice %add3A_196 {offsets = [0, 0], sizes = [8, 2044], strides = [1, 1]} : vector<8x2048xf32> to vector<8x2044xf32>
    %concatenate3A_200 = tpu.concatenate %broadcast_in_dim3A_198, %slice3A_199 in 1 : vector<8x4xf32>, vector<8x2044xf32> -> vector<8x2048xf32>
    %add3A_201 = arith.addf %add3A_196, %concatenate3A_200 : vector<8x2048xf32>
    %broadcast_in_dim3A_202 = arith.constant 0.000000e+00 : f32
    %broadcast_in_dim3A_203 = vector.broadcast %broadcast_in_dim3A_202 : f32 to vector<8x8xf32>
    %slice3A_204 = vector.extract_strided_slice %add3A_201 {offsets = [0, 0], sizes = [8, 2040], strides = [1, 1]} : vector<8x2048xf32> to vector<8x2040xf32>
    %concatenate3A_205 = tpu.concatenate %broadcast_in_dim3A_203, %slice3A_204 in 1 : vector<8x8xf32>, vector<8x2040xf32> -> vector<8x2048xf32>
    %add3A_206 = arith.addf %add3A_201, %concatenate3A_205 : vector<8x2048xf32>
    %broadcast_in_dim3A_207 = arith.constant 0.000000e+00 : f32
    %broadcast_in_dim3A_208 = vector.broadcast %broadcast_in_dim3A_207 : f32 to vector<8x16xf32>
    %slice3A_209 = vector.extract_strided_slice %add3A_206 {offsets = [0, 0], sizes = [8, 2032], strides = [1, 1]} : vector<8x2048xf32> to vector<8x2032xf32>
    %concatenate3A_210 = tpu.concatenate %broadcast_in_dim3A_208, %slice3A_209 in 1 : vector<8x16xf32>, vector<8x2032xf32> -> vector<8x2048xf32>
    %add3A_211 = arith.addf %add3A_206, %concatenate3A_210 : vector<8x2048xf32>
    %broadcast_in_dim3A_212 = arith.constant 0.000000e+00 : f32
    %broadcast_in_dim3A_213 = vector.broadcast %broadcast_in_dim3A_212 : f32 to vector<8x32xf32>
    %slice3A_214 = vector.extract_strided_slice %add3A_211 {offsets = [0, 0], sizes = [8, 2016], strides = [1, 1]} : vector<8x2048xf32> to vector<8x2016xf32>
    %concatenate3A_215 = tpu.concatenate %broadcast_in_dim3A_213, %slice3A_214 in 1 : vector<8x32xf32>, vector<8x2016xf32> -> vector<8x2048xf32>
    %add3A_216 = arith.addf %add3A_211, %concatenate3A_215 : vector<8x2048xf32>
    %broadcast_in_dim3A_217 = arith.constant 0.000000e+00 : f32
    %broadcast_in_dim3A_218 = vector.broadcast %broadcast_in_dim3A_217 : f32 to vector<8x64xf32>
    %slice3A_219 = vector.extract_strided_slice %add3A_216 {offsets = [0, 0], sizes = [8, 1984], strides = [1, 1]} : vector<8x2048xf32> to vector<8x1984xf32>
    %concatenate3A_220 = tpu.concatenate %broadcast_in_dim3A_218, %slice3A_219 in 1 : vector<8x64xf32>, vector<8x1984xf32> -> vector<8x2048xf32>
    %add3A_221 = arith.addf %add3A_216, %concatenate3A_220 : vector<8x2048xf32>
    %broadcast_in_dim3A_222 = arith.constant 0.000000e+00 : f32
    %broadcast_in_dim3A_223 = vector.broadcast %broadcast_in_dim3A_222 : f32 to vector<8x128xf32>
    %slice3A_224 = vector.extract_strided_slice %add3A_221 {offsets = [0, 0], sizes = [8, 1920], strides = [1, 1]} : vector<8x2048xf32> to vector<8x1920xf32>
    %concatenate3A_225 = tpu.concatenate %broadcast_in_dim3A_223, %slice3A_224 in 1 : vector<8x128xf32>, vector<8x1920xf32> -> vector<8x2048xf32>
    %add3A_226 = arith.addf %add3A_221, %concatenate3A_225 : vector<8x2048xf32>
    %broadcast_in_dim3A_227 = arith.constant 0.000000e+00 : f32
    %broadcast_in_dim3A_228 = vector.broadcast %broadcast_in_dim3A_227 : f32 to vector<8x256xf32>
    %slice3A_229 = vector.extract_strided_slice %add3A_226 {offsets = [0, 0], sizes = [8, 1792], strides = [1, 1]} : vector<8x2048xf32> to vector<8x1792xf32>
    %concatenate3A_230 = tpu.concatenate %broadcast_in_dim3A_228, %slice3A_229 in 1 : vector<8x256xf32>, vector<8x1792xf32> -> vector<8x2048xf32>
    %add3A_231 = arith.addf %add3A_226, %concatenate3A_230 : vector<8x2048xf32>
    %broadcast_in_dim3A_232 = arith.constant 0.000000e+00 : f32
    %broadcast_in_dim3A_233 = vector.broadcast %broadcast_in_dim3A_232 : f32 to vector<8x512xf32>
    %slice3A_234 = vector.extract_strided_slice %add3A_231 {offsets = [0, 0], sizes = [8, 1536], strides = [1, 1]} : vector<8x2048xf32> to vector<8x1536xf32>
    %concatenate3A_235 = tpu.concatenate %broadcast_in_dim3A_233, %slice3A_234 in 1 : vector<8x512xf32>, vector<8x1536xf32> -> vector<8x2048xf32>
    %add3A_236 = arith.addf %add3A_231, %concatenate3A_235 : vector<8x2048xf32>
    %broadcast_in_dim3A_237 = arith.constant 0.000000e+00 : f32
    %broadcast_in_dim3A_238 = vector.broadcast %broadcast_in_dim3A_237 : f32 to vector<8x1024xf32>
    %slice3A_239 = vector.extract_strided_slice %add3A_236 {offsets = [0, 0], sizes = [8, 1024], strides = [1, 1]} : vector<8x2048xf32> to vector<8x1024xf32>
    %concatenate3A_240 = tpu.concatenate %broadcast_in_dim3A_238, %slice3A_239 in 1 : vector<8x1024xf32>, vector<8x1024xf32> -> vector<8x2048xf32>
    %add3A_241 = arith.addf %add3A_236, %concatenate3A_240 : vector<8x2048xf32>
    %mul3A_242 = arith.mulf %add3A_241, %convert_element_type3A_186 : vector<8x2048xf32>
    %reduce_sum3A_243 = arith.constant dense<0.000000e+00> : vector<2048xf32>
    %reduce_sum3A_244 = vector.multi_reduction <add>, %mul3A_242, %reduce_sum3A_243 [0] : vector<8x2048xf32> to vector<2048xf32>
    %broadcast_in_dim3A_245 = vector.shape_cast %reduce_sum3A_244 : vector<2048xf32> to vector<1x2048xf32>
    %sub3A_246 = arith.constant 1.000000e+00 : f32
    %sub3A_247 = vector.broadcast %sub3A_246 : f32 to vector<1x2048xf32>
    %sub3A_248 = arith.subf %broadcast_in_dim3A_245, %sub3A_247 : vector<1x2048xf32>
    %slice3A_249 = vector.extract_strided_slice %add3A_241 {offsets = [0, 2047], sizes = [8, 1], strides = [1, 1]} : vector<8x2048xf32> to vector<8x1xf32>
    %mul3A_250 = arith.constant 7.812500e-03 : f32
    %mul3A_251 = vector.broadcast %mul3A_250 : f32 to vector<8x1xf32>
    %mul3A_252 = arith.mulf %slice3A_249, %mul3A_251 : vector<8x1xf32>
    %ceil3A = math.ceil %mul3A_252 : vector<8x1xf32>
    %mul3A_253 = arith.constant 1.280000e+02 : f32
    %mul3A_254 = vector.broadcast %mul3A_253 : f32 to vector<8x1xf32>
    %mul3A_255 = arith.mulf %ceil3A, %mul3A_254 : vector<8x1xf32>
    %iota3A_256 = tpu.iota {dimensions = array<i32: 0>} : vector<8x8xi32>
    %iota3A_257 = tpu.iota {dimensions = array<i32: 1>} : vector<8x8xi32>
    %gt3A = arith.cmpi sgt, %iota3A_256, %iota3A_257 : vector<8x8xi32>
    %convert_element_type3A_258 = arith.extui %gt3A : vector<8x8xi1> to vector<8x8xi32>
    %convert_element_type3A_259 = arith.sitofp %convert_element_type3A_258 : vector<8x8xi32> to vector<8x8xf32>
    %dot_general3A_260 = arith.constant dense<0.000000e+00> : vector<8x1xf32>
    %dot_general3A_261 = tpu.matmul %convert_element_type3A_259, %mul3A_255, %dot_general3A_260 {dimension_numbers = #tpu.dot_dimension_numbers<[1], [0], [0], [1], [0, 0, 1, 1], [], []>, transpose_lhs_hint = false} : vector<8x8xf32>, vector<8x1xf32>, vector<8x1xf32> -> vector<8x1xf32>
    %mul3A_262 = vector.broadcast %dot_general3A_261 : vector<8x1xf32> to vector<8x2048xf32>
    %mul3A_263 = arith.mulf %convert_element_type3A_186, %mul3A_262 : vector<8x2048xf32>
    %reduce_sum3A_264 = arith.constant dense<0.000000e+00> : vector<2048xf32>
    %reduce_sum3A_265 = vector.multi_reduction <add>, %mul3A_263, %reduce_sum3A_264 [0] : vector<8x2048xf32> to vector<2048xf32>
    %broadcast_in_dim3A_266 = vector.shape_cast %reduce_sum3A_265 : vector<2048xf32> to vector<1x2048xf32>
    %add3A_267 = arith.addf %broadcast_in_dim3A_266, %sub3A_248 : vector<1x2048xf32>
    %convert_element_type3A_268 = arith.fptosi %add3A_267 : vector<1x2048xf32> to vector<1x2048xi32>
    %swap3A_269 = arith.constant 0 : index
    %swap3A_270 = arith.constant 0 : index
    %swap3A_271 = vector.load %arg3[%swap3A_269, %swap3A_270] : memref<1x2048xi32, #tpu.memory_space<vmem>>, vector<1x2048xi32>
    tpu.vector_store %arg3[%swap3A_269, %swap3A_270], %convert_element_type3A_268 {strides = array<i32>} : memref<1x2048xi32, #tpu.memory_space<vmem>>, vector<1x2048xi32>,
    %add3A_272 = arith.addf %dot_general3A_261, %mul3A_255 : vector<8x1xf32>
    %iota3A_273 = tpu.iota {dimensions = array<i32: 1>} : vector<1x32xi32>
    %mul3A_274 = arith.constant 128 : i32
    %mul3A_275 = vector.broadcast %mul3A_274 : i32 to vector<1x32xi32>
    %mul3A_276 = arith.muli %iota3A_273, %mul3A_275 : vector<1x32xi32>
    %convert_element_type3A_277 = arith.sitofp %mul3A_276 : vector<1x32xi32> to vector<1x32xf32>
    %ge3A = vector.broadcast %convert_element_type3A_277 : vector<1x32xf32> to vector<8x32xf32>
    %ge3A_278 = vector.broadcast %add3A_272 : vector<8x1xf32> to vector<8x32xf32>
    %ge3A_279 = arith.cmpf oge, %ge3A, %ge3A_278 : vector<8x32xf32>
    %convert_element_type3A_280 = arith.extui %ge3A_279 : vector<8x32xi1> to vector<8x32xi32>
    %reduce_sum3A_281 = arith.constant dense<0> : vector<32xi32>
    %reduce_sum3A_282 = vector.multi_reduction <add>, %convert_element_type3A_280, %reduce_sum3A_281 [0] : vector<8x32xi32> to vector<32xi32>
    %broadcast_in_dim3A_283 = vector.shape_cast %reduce_sum3A_282 : vector<32xi32> to vector<1x32xi32>
    %min3A = arith.constant 7 : i32
    %min3A_284 = vector.broadcast %min3A : i32 to vector<1x32xi32>
    %min3A_285 = arith.minsi %broadcast_in_dim3A_283, %min3A_284 : vector<1x32xi32>
    %slice3A_286 = vector.extract_strided_slice %add3A_272 {offsets = [7, 0], sizes = [1, 1], strides = [1, 1]} : vector<8x1xf32> to vector<1x1xf32>
    %squeeze3A = vector.extract %slice3A_286[0, 0] : f32 from vector<1x1xf32>
    %mul3A_287 = arith.constant 7.812500e-03 : f32
    %mul3A_288 = arith.mulf %squeeze3A, %mul3A_287 : f32
    %convert_element_type3A_289 = arith.fptosi %mul3A_288 : f32 to i32
    %iota3A_290 = tpu.iota {dimensions = array<i32: 1>} : vector<1x32xi32>
    %eq3A_291 = arith.constant 24 : i32
    %eq3A_292 = vector.broadcast %eq3A_291 : i32 to vector<1x32xi32>
    %eq3A_293 = arith.cmpi eq, %iota3A_290, %eq3A_292 : vector<1x32xi32>
    %broadcast_in_dim3A_294 = vector.broadcast %convert_element_type3A_289 : i32 to vector<1x32xi32>
    %select_n3A_295 = arith.select %eq3A_293, %broadcast_in_dim3A_294, %min3A_285 : vector<1x32xi1>, vector<1x32xi32>
    %swap3A_296 = arith.constant 0 : index
    %swap3A_297 = arith.constant 0 : index
    %swap3A_298 = vector.load %arg5[%swap3A_296, %swap3A_297] : memref<1x32xi32, #tpu.memory_space<vmem>>, vector<1x32xi32>
    tpu.vector_store %arg5[%swap3A_296, %swap3A_297], %select_n3A_295 {strides = array<i32>} : memref<1x32xi32, #tpu.memory_space<vmem>>, vector<1x32xi32>,
    return
  }
}

</mosaic_0001>

<sc_bundles>
// kernel: kernel.6.cloned.1.call-start
scs
__scs_entry_jumppad:
0x0: {  	(pc) =	sbr.rel $0x88, $3  }
0x1: {  	(tag) =	ssettag $0x0;
	lr =	simm.s32 $0x1  }
0x2: {  	[smem:$0x3F9B] =	sst lr;
	_ =	strace $0xD0000000  }
0x3: {  	_ = 	snop  }
0x4: {  	_ = 	snop  }
0x5: {  	_ = 	snop  }
0x6: {  	_ = 	snop  }
0x7: {  	_ = 	snop  }
__scs_overlays_trampoline_lowered:
0x8: {  	[smem:$0x3FAA] =	sst s0  }
0x9: {  	[smem:$0x3FAB] =	sst s1  }
0xa: {  	[smem:$0x3FAC] =	sst s2  }
0xb: {  	[smem:$0x3FAD] =	sst s3  }
0xc: {  	[smem:$0x3FAE] =	sst s4  }
0xd: {  	[smem:$0x3FAF] =	sst s5  }
0xe: {  	[smem:$0x3FB0] =	sst s6  }
0xf: {  	[smem:$0x3FB1] =	sst s7  }
0x10: {  	[smem:$0x3FB2] =	sst s8  }
0x11: {  	[smem:$0x3FB3] =	sst s9;
	s0 =	simm.s32 @!p0 $0x0  }
0x12: {  	s1 =	sld [smem:$0x3F99];
	s0 =	simm.s32 @p0 $0x1  }
0x13: {  	[smem:$0x3FB4] =	sst s0;
	s0 =	simm.s32 @!p1 $0x0  }
0x14: {  	s2 =	sld [smem:$0x3F98];
	s0 =	simm.s32 @p1 $0x1  }
0x15: {  	[smem:$0x3FB5] =	sst s0;
	s0 =	simm.s32 @!p2 $0x0  }
0x16: {  	s3 =	sld [smem:$0x3FDB];
	s0 =	simm.s32 @p2 $0x1  }
0x17: {  	s4 =	simm.s32 $0x1BF5;
	[smem:$0x3FB7] =	sst s0  }
0x18: {  	s0 =	sld [smem:$0x3F9A];
	_ =	swait.ge [sflag:s4], $0x0  }
0x19: {  	s7 =	sld [smem:$0x3F9B]  }
0x1a: {  	s8 =	sadd.s32 $0xFFFFE003, lr  }
0x1b: {  	s9 =	sadd.s32 $0xFFFFFEF7, lr;
	s5 =	simm.s32 $0xFFFFFFFF;
	p2 =	slt.u32 s8, $0xFFFFF086  }
0x1c: {  	p1 =	slt.u32 s9, $0xF7A;
	s5 =	simm.s32 @!p2 $0x0  }
0x1d: {  	s5 =	simm.s32 @p1 $0x1;
	p0 =	seq.s32 s7, s2  }
0x1e: {  	s7 =	smul.u32 @!p0 $0xF7A, s2;
	p2 =	seq.s32 @!p0 s5, $0x0  }
0x1f: {  	s9 =	smul.u32 $0xF7A, s1;
	s8 =	simm.s32 @!p0 $0x1BF5;
	p2 =	por !p2, p0  }
0x20: {  	[sflag:s8] =	ssyncset.s32 @!p0 $0xFFFFF086;
	s6 =	sadd.s32 @!p0 s3, s7;
	s7 =	simm.s32 @!p0 $0x108  }
0x21: {  	s3 =	sadd.s32 s3, s9;
	s6 =	sadd.s32 @!p0 $0x88, s6;
	s7 =	simm.s32 @p2 $0x1082  }
0x22: {  	[simem:s7], [sflag:s8] =	dma.local @!p0 [hbm:s6], $0xF7A  }
0x23: {  	s9 =	sor.u32 $0xD0000000, s2;
	s6 =	simm.s32 $0x108;
	_ =	swait.ge @!p0 [sflag:s8], $0x0  }
0x24: {  	s3 =	sadd.s32 $0x88, s3;
	s6 =	simm.s32 @!p1 $0x1082;
	[sflag:s4] =	ssyncset.s32 $0xFFFFF086  }
0x25: {  	[simem:s6], [sflag:s4] =	dma.local [hbm:s3], $0xF7A  }
0x26: {  	[smem:$0x3F9B] =	sst s1;
	(tag) =	ssettag s2;
	_ =	strace s9  }
0x27: {  	s1 =	sld [smem:$0x3FAB]  }
0x28: {  	s2 =	sld [smem:$0x3FAC]  }
0x29: {  	s4 =	sld [smem:$0x3FAE]  }
0x2a: {  	p0 =	seq.s32 s5, $0x0;
	s5 =	sld [smem:$0x3FAF]  }
0x2b: {  	s6 =	sld [smem:$0x3FB0]  }
0x2c: {  	s7 =	sld [smem:$0x3FB1]  }
0x2d: {  	s3 =	simm.s32 $0x108;
	s8 =	sld [smem:$0x3FB2]  }
0x2e: {  	s3 =	simm.s32 @!p0 $0x1082;
	s9 =	sld [smem:$0x3FB3]  }
0x2f: {  	lr =	sadd.s32 s0, s3;
	s0 =	sld [smem:$0x3FAA]  }
0x30: {  	s3 =	sld [smem:$0x3FAD]  }
0x31: {  	[smem:$0x3FB6] =	sst s10  }
0x32: {  	s10 =	sld [smem:$0x3FB4];
	_ =	sdelay $0x3  }
0x33: {  	p0 =	seq.s32 s10, $0x1;
	s10 =	sld [smem:$0x3FB6];
	_ =	sdelay $0x3  }
0x34: {  	[smem:$0x3FB6] =	sst s10  }
0x35: {  	s10 =	sld [smem:$0x3FB5];
	_ =	sdelay $0x3  }
0x36: {  	p1 =	seq.s32 s10, $0x1;
	s10 =	sld [smem:$0x3FB6];
	_ =	sdelay $0x3  }
0x37: {  	[smem:$0x3FB6] =	sst s10  }
0x38: {  	s10 =	sld [smem:$0x3FB7]  }
0x39: {  	_ = 	snop;
	(pc) =	sbr.ind lr, $3  }
0x3a: {  	_ = 	snop  }
0x3b: {  	_ = 	snop  }
0x3c: {  	p2 =	seq.s32 s10, $0x1;
	s10 =	sld [smem:$0x3FB6]  }
0x3d: {  	_ =	shalt  }
0x3e: {  	_ =	shalt  }
0x3f: {  	_ =	shalt  }
0x40: {  	_ =	shalt  }
0x41: {  	_ =	shalt  }
0x42: {  	_ =	shalt  }
0x43: {  	_ =	shalt  }
0x44: {  	_ =	shalt  }
0x45: {  	_ =	shalt  }
0x46: {  	_ =	shalt  }
0x47: {  	_ =	shalt  }
0x48: {  	_ =	shalt  }
0x49: {  	_ =	shalt  }
0x4a: {  	_ =	shalt  }
0x4b: {  	_ =	shalt  }
0x4c: {  	_ =	shalt  }
0x4d: {  	_ =	shalt  }
0x4e: {  	_ =	shalt  }
0x4f: {  	_ =	shalt  }
0x50: {  	_ =	shalt  }
0x51: {  	_ =	shalt  }
0x52: {  	_ =	shalt  }
0x53: {  	_ =	shalt  }
0x54: {  	_ =	shalt  }
0x55: {  	_ =	shalt  }
0x56: {  	_ =	shalt  }
0x57: {  	_ =	shalt  }
0x58: {  	_ =	shalt  }
0x59: {  	_ =	shalt  }
0x5a: {  	_ =	shalt  }
0x5b: {  	_ =	shalt  }
0x5c: {  	_ =	shalt  }
0x5d: {  	_ =	shalt  }
0x5e: {  	_ =	shalt  }
0x5f: {  	_ =	shalt  }
0x60: {  	_ =	shalt  }
0x61: {  	_ =	shalt  }
0x62: {  	_ =	shalt  }
0x63: {  	_ =	shalt  }
0x64: {  	_ =	shalt  }
0x65: {  	_ =	shalt  }
0x66: {  	_ =	shalt  }
0x67: {  	_ =	shalt  }
0x68: {  	_ =	shalt  }
0x69: {  	_ =	shalt  }
0x6a: {  	_ =	shalt  }
0x6b: {  	_ =	shalt  }
0x6c: {  	_ =	shalt  }
0x6d: {  	_ =	shalt  }
0x6e: {  	_ =	shalt  }
0x6f: {  	_ =	shalt  }
0x70: {  	_ =	shalt  }
0x71: {  	_ =	shalt  }
0x72: {  	_ =	shalt  }
0x73: {  	_ =	shalt  }
0x74: {  	_ =	shalt  }
0x75: {  	_ =	shalt  }
0x76: {  	_ =	shalt  }
0x77: {  	_ =	shalt  }
0x78: {  	_ =	shalt  }
0x79: {  	_ =	shalt  }
0x7a: {  	_ =	shalt  }
0x7b: {  	_ =	shalt  }
0x7c: {  	_ =	shalt  }
0x7d: {  	_ =	shalt  }
0x7e: {  	_ =	shalt  }
0x7f: {  	_ =	shalt  }
0x80: {  	_ =	shalt  }
0x81: {  	_ =	shalt  }
0x82: {  	_ =	shalt  }
0x83: {  	_ =	shalt  }
0x84: {  	_ =	shalt  }
0x85: {  	_ =	shalt  }
0x86: {  	_ =	shalt  }
0x87: {  	_ =	shalt  }
.Lfunc_end0:
.L_simem_size_0:
called_computation_lowered:
.L_overlay_start_0:
0x88: {  	s2 =	sld [smem:$0x3FD9]  }
0x89: {  	s3 =	sld [smem:$0x3FFE];
	_ =	sdelay $0x1  }
0x8a: {  	s1 =	srdreg.scid  }
0x8b: {  	s0 =	sand.u32 $0x1, s1  }
0x8c: {  	s17 =	sshll.u32 s0, $0xA;
	s2 =	sadd.s32 s3, s2  }
0x8d: {  	s2 =	sadd.s32 s2, s17  }
0x8e: {  	[smem:$0x3FC2] =	sst s2  }
0x8f: {  	_ = 	snop  }
0x90: {  	s2 =	sld [smem:$0x3FC9]  }
0x91: {  	s18 =	sld [smem:$0x3FD0];
	(tm) =	ssettm $0x1  }
0x92: {  	s4 =	sld [smem:$0x3FFB];
	_ =	sdelay $0x3  }
0x93: {  	_ =	strace s4  }
0x94: {  	s4 =	sld [smem:$0x3FFC];
	_ =	sdelay $0x3  }
0x95: {  	_ =	strace s4  }
0x96: {  	s4 =	sld [smem:$0x3FFD];
	_ =	sdelay $0x3  }
0x97: {  	_ =	strace s4  }
0x98: {  	_ =	strace $0x8FFFFFFF  }
0x99: {  	s19 =	sld [smem:$0x3FDB];
	_ =	sdelay $0x1  }
0x9a: {  	s5 =	simm.s32 $_scs_section_size  }
0x9b: {  	s6 =	simm.s32 $_size__tile_overlayer_lowered;
	s7 =	simm.s32 $_tile_overlayer_lowered  }
0x9c: {  	s22 =	simm.s32 $0x1BFF;
	s21 =	sshll.u32 s7, $0x1;
	s4 =	sadd.s32 s5, s19  }
0x9d: {  	s8 =	simm.s32 $0x0;
	s20 =	sshll.u32 s6, $0x1;
	s6 =	sadd.s32 s21, s4  }
0x9e: {  	[timem:s8], [sflag:s22] =	dma.local [hbm:s6], s20  }
0x9f: {  	_ =	swait.ge [sflag:s22], s20  }
0xa0: {  	s5 =	ssub.s32 $0x0, s20;
	[sflag:s22] =	ssyncset.done $0x0  }
0xa1: {  	[sflag:s22] =	ssyncadd.s32 s5;
	_ =	sdelay $0x1  }
0xa2: {  	s23 =	simm.s32 $0x1B8B  }
0xa3: {  	_ =	swait.ge [sflag:s23], $0x1  }
0xa4: {  	[sflag:s23] =	ssyncset.done $0x0  }
0xa5: {  	s25 =	simm.s32 $0x1B8E;
	s24 =	sld [smem:$0x3FFE];
	[sflag:s23] =	ssyncadd.s32 $0xFFFFFFFF  }
0xa6: {  	s26 =	simm.s32 $execute0_lowered;
	[smem:$0x3FD2] =	sst s25  }
0xa7: {  	s6 =	sshll.u32 s26, $0x1;
	_ =	strace $0x80000046;
	[dreg:$0x1] =	wrdreg $0xFFFFFFFF  }
0xa8: {  	s28 =	simm.s32 $_size_execute0_lowered;
	s4 =	sadd.s32 s4, s6;
	[dreg:$0x0] =	wrdreg $0x0  }
0xa9: {  	s6 =	sshll.u32 s28, $0x1;
	[dreg:$0x2] =	wrdreg s4  }
0xaa: {  	[dreg:$0x3] =	wrdreg s6  }
0xab: {  	[dreg:$0x4] =	wrdreg $0xC0  }
0xac: {  	_ =	task [dreg:s8], $0x5FFFF  }
0xad: {  	[dreg:$0x1] =	wrdreg $0xFFFFFFFF  }
0xae: {  	[dreg:$0x0] =	wrdreg $0x60  }
0xaf: {  	[dreg:$0x2] =	wrdreg s24  }
0xb0: {  	[dreg:$0x3] =	wrdreg s2  }
0xb1: {  	[dreg:$0x4] =	wrdreg s18  }
0xb2: {  	[dreg:$0x5] =	wrdreg $0x9  }
0xb3: {  	_ =	task.clear_ibuf [dreg:s8], $0x6FFFF;
	_ =	strace $0x90000046  }
0xb4: {  	s29 =	simm.s32 $0x9;
	_ =	strace $0x80000048  }
0xb5: {  	_ =	swait.ge [sflag:s29], $0x1  }
0xb6: {  	[sflag:s29] =	ssyncadd.s32 $0xFFFFFFFF  }
0xb7: {  	_ =	strace $0x90000048  }
0xb8: {  	_ =	sfence  }
0xb9: {  	s30 =	sld [smem:$0x0];
	_ =	sdelay $0x2  }
0xba: {  	s31 =	sshll.u32 s1, $0xD;
	s1 =	sshrl.u32 s1, $0x2  }
0xbb: {  	s3 =	sand.u32 $0x4000, s31;
	s1 =	sadd.s32 s1, s30  }
0xbc: {  	s0 =	sor.u32 s3, s0;
	s1 =	sshll.u32 s1, $0x11  }
0xbd: {  	s0 =	sor.u32 s1, s0  }
0xbe: {  	s0 =	sadd.s32 $0x8F2B, s0  }
0xbf: {  	[sflag:s0] =	ssyncadd.remote.s32 $0x1  }
0xc0: {  	_ =	sfence.sel $0xFFFF  }
0xc1: {  	[dreg:$0x0] =	wrdreg $0xFFFFFFFF;
	(pc) =	sbr.abs _section_cstart, $3  }
0xc2: {  	[dreg:$0x1] =	wrdreg $0xFFFFFFFF  }
0xc3: {  	_ =	task.clear_ibuf [dreg:s8], $0x2FFFF;
	_ =	strace $0x9FFFFFFF  }
0xc4: {  	(tm) =	ssettm $0x7FFFFFFF  }
0xc5: {  	_ =	shalt  }
tec
execute0_lowered:
.L_overlay_start_1:
0x0: {  	(tag) =	ssettag $0x1  }
0x1: {  	s1 =	srdreg.scid  }
0x2: {  	s0 =	stileid.u32;
	s8 =	rddreg [dreg:$0x0];
	s1 =	sand.u32 $0x1, s1  }
0x3: {  	s4 =	rddreg [dreg:$0x1];
	s2 =	sshll.u32 s0, $0x7;
	s3 =	sshll.u32 s1, $0x6  }
0x4: {  	s6 =	rddreg [dreg:$0x2];
	s5 =	sor.u32 s3, s2;
	s2 =	simm.s32 $0x0  }
0x5: {  	s15 =	simm.s32 $0x880;
	s16 =	simm.s32 $0x1080;
	[smem:$0x7FF] =	sst s2  }
0x6: {  	s17 =	simm.s32 $0x2480;
	_ =	strace $0x80000047;
	[dreg:$0x13] =	wrdreg s15  }
0x7: {  	s18 =	simm.s32 $0x2C80;
	s19 =	simm.s32 $0x4080;
	[dreg:$0x14] =	wrdreg s16  }
0x8: {  	s20 =	simm.s32 $0x4880;
	s21 =	simm.s32 $0x5C80;
	[dreg:$0x15] =	wrdreg s17  }
0x9: {  	s22 =	simm.s32 $0x6480;
	s23 =	simm.s32 $0x7880;
	[dreg:$0x16] =	wrdreg s18  }
0xa: {  	s24 =	simm.s32 $0x8080;
	s28 =	simm.s32 $0x2;
	[dreg:$0x17] =	wrdreg s19  }
0xb: {  	s29 =	simm.s32 $0x3;
	s31 =	simm.s32 $0xCC80;
	[dreg:$0x18] =	wrdreg s20  }
0xc: {  	s1 =	ssub.s32 $0x2, s1;
	s3 =	sshrl.u32 s5, $0x3;
	[dreg:$0x19] =	wrdreg s21  }
0xd: {  	s11 =	sshrl.u32 s1, $0x1;
	s7 =	smul.u32 $0x300, s3;
	[dreg:$0x1a] =	wrdreg s22  }
0xe: {  	s5 =	sshll.u32 s5, $0x4;
	s3 =	sadd.s32 s3, s8;
	[dreg:$0x1b] =	wrdreg s23  }
0xf: {  	[dreg:$0x1c] =	wrdreg s24;
	s9 =	sadd.s32 $0x1400, s3;
	s3 =	sadd.s32 s4, s7  }
0x10: {  	s1 =	ssub.s32 s1, s11;
	[dreg:$0x4] =	wrdreg s9;
	s4 =	sadd.s32 $0x300, s3  }
0x11: {  	s11 =	simm.s32 $0x1C80;
	s25 =	sadd.s32 $0x600, s3;
	[dreg:$0x5] =	wrdreg s4  }
0x12: {  	s15 =	simm.s32 $0x8C80;
	s26 =	sadd.s32 $0x900, s3;
	[dreg:$0x6] =	wrdreg s25  }
0x13: {  	s16 =	simm.s32 $0xA880;
	s30 =	sadd.s32 $0xC00, s3;
	[dreg:$0x7] =	wrdreg s26  }
0x14: {  	s17 =	simm.s32 $0xC480;
	s0 =	sadd.s32 $0xF00, s3;
	[dreg:$0x8] =	wrdreg s30  }
0x15: {  	s18 =	simm.s32 $0x1880;
	s7 =	sadd.s32 $0x1200, s3;
	[dreg:$0x9] =	wrdreg s0  }
0x16: {  	s19 =	simm.s32 $0x3480;
	[dreg:$0xa] =	wrdreg s7;
	s7 =	sadd.s32 $0x1500, s3  }
0x17: {  	s20 =	simm.s32 $0x5080;
	s25 =	simm.s32 $0x9480;
	[dreg:$0xb] =	wrdreg s7  }
0x18: {  	s21 =	simm.s32 $0x6C80;
	s26 =	simm.s32 $0x9C80;
	[dreg:$0x1d] =	wrdreg s25  }
0x19: {  	s4 =	sadd.s32 s6, s5;
	s30 =	simm.s32 $0xB080;
	[dreg:$0x1e] =	wrdreg s26  }
0x1a: {  	s22 =	simm.s32 $0x8880;
	s6 =	sadd.s32 $0x80, s4;
	[dreg:$0x1f] =	wrdreg s30  }
0x1b: {  	s23 =	simm.s32 $0xA480;
	s9 =	sadd.s32 $0x100, s4;
	[dreg:$0xc] =	wrdreg s6  }
0x1c: {  	s24 =	simm.s32 $0xC080;
	s10 =	sadd.s32 $0x180, s4;
	[dreg:$0xd] =	wrdreg s9  }
0x1d: {  	s5 =	sadd.s32 $0x1600, s8;
	s12 =	sadd.s32 $0x200, s4;
	[dreg:$0xe] =	wrdreg s10  }
0x1e: {  	s13 =	sadd.s32 $0x280, s4;
	s14 =	sadd.s32 $0x300, s4;
	[dreg:$0xf] =	wrdreg s12  }
0x1f: {  	s7 =	sadd.s32 $0x1800, s8;
	s25 =	simm.s32 $0xDC80;
	[dreg:$0x10] =	wrdreg s13  }
0x20: {  	s26 =	simm.s32 $0x1;
	s6 =	sadd.s32 $0x1700, s8;
	[dreg:$0x11] =	wrdreg s14  }
0x21: {  	v2 =	vlaneseq.u32;
	s10 =	sadd.s32 $0x380, s4;
	s8 =	sadd.s32 $0x1900, s8;
	s9 =	smax.u32 s1, $0x1  }
0x22: {  	vm0 =	vmmov $0xffff;
	vm1 =	vmmov $0xff;
	v1 =	vshrl.u32 v2, $0x3;
	s12 =	simm.s32 $0x3880;
	s13 =	simm.s32 $0x5480;
	s14 =	simm.s32 $0x7080  }
0x23: {  	v0 =	vand.u32 $0x7, v2;
	v2 =	vor.u32 $0x8, v2;
	v1 =	vmul.u32 $0x8, v1;
	s1 =	simm.s32 $0xD480;
	[dreg:$0x12] =	wrdreg s10;
	s10 =	simm.s32 $0x80  }
.LBB2_1:
0x24: {  	s0 =	rddreg [dreg:$0x4]  }
0x25: {  	[tilespmem:s2], [sflag:$0x1] =	stream.linear.gather [hbm4b:s0+s2], $0x40, $0x38;
	[tilespmem:$0xE080] =	vst v63  }
0x26: {  	_ = 	snop  }
0x27: {  	[tilespmem:s10], [sflag:$0x2] =	stream.linear.gather [hbm4b:s3+s2], $0x1800, $0x38;
	[tilespmem:$0xE080] =	vst v63  }
0x28: {  	s0 =	rddreg [dreg:$0x5]  }
0x29: {  	[tilespmem:s11], [sflag:$0x2] =	stream.linear.gather [hbm4b:s0+s2], $0x1800, $0x38;
	[tilespmem:$0xE080] =	vst v63  }
0x2a: {  	s30 =	rddreg [dreg:$0x6]  }
0x2b: {  	[tilespmem:s12], [sflag:$0x2] =	stream.linear.gather [hbm4b:s30+s2], $0x1800, $0x38;
	[tilespmem:$0xE080] =	vst v63  }
0x2c: {  	s0 =	rddreg [dreg:$0x7]  }
0x2d: {  	[tilespmem:s13], [sflag:$0x2] =	stream.linear.gather [hbm4b:s0+s2], $0x1800, $0x38;
	[tilespmem:$0xE080] =	vst v63  }
0x2e: {  	s30 =	rddreg [dreg:$0x8]  }
0x2f: {  	[tilespmem:s14], [sflag:$0x2] =	stream.linear.gather [hbm4b:s30+s2], $0x1800, $0x38;
	[tilespmem:$0xE080] =	vst v63  }
0x30: {  	s0 =	rddreg [dreg:$0x9]  }
0x31: {  	[tilespmem:s15], [sflag:$0x2] =	stream.linear.gather [hbm4b:s0+s2], $0x1800, $0x38;
	[tilespmem:$0xE080] =	vst v63  }
0x32: {  	s30 =	rddreg [dreg:$0xa]  }
0x33: {  	[tilespmem:s16], [sflag:$0x2] =	stream.linear.gather [hbm4b:s30+s2], $0x1800, $0x38;
	[tilespmem:$0xE080] =	vst v63  }
0x34: {  	s0 =	rddreg [dreg:$0xb]  }
0x35: {  	[tilespmem:s17], [sflag:$0x2] =	stream.linear.gather [hbm4b:s0+s2], $0x1800, $0x38;
	[tilespmem:$0xE080] =	vst v63  }
0x36: {  	_ = 	snop  }
0x37: {  	[tilespmem:s18], [sflag:$0x3] =	stream.linear.gather [hbm4b:s4+s2], $0x400, $0x38;
	[tilespmem:$0xE080] =	vst v63  }
0x38: {  	s0 =	rddreg [dreg:$0xc]  }
0x39: {  	[tilespmem:s19], [sflag:$0x3] =	stream.linear.gather [hbm4b:s0+s2], $0x400, $0x38;
	[tilespmem:$0xE080] =	vst v63  }
0x3a: {  	s30 =	rddreg [dreg:$0xd]  }
0x3b: {  	[tilespmem:s20], [sflag:$0x3] =	stream.linear.gather [hbm4b:s30+s2], $0x400, $0x38;
	[tilespmem:$0xE080] =	vst v63  }
0x3c: {  	s0 =	rddreg [dreg:$0xe]  }
0x3d: {  	[tilespmem:s21], [sflag:$0x3] =	stream.linear.gather [hbm4b:s0+s2], $0x400, $0x38;
	[tilespmem:$0xE080] =	vst v63  }
0x3e: {  	s30 =	rddreg [dreg:$0xf]  }
0x3f: {  	[tilespmem:s22], [sflag:$0x3] =	stream.linear.gather [hbm4b:s30+s2], $0x400, $0x38;
	[tilespmem:$0xE080] =	vst v63  }
0x40: {  	s0 =	rddreg [dreg:$0x10]  }
0x41: {  	[tilespmem:s23], [sflag:$0x3] =	stream.linear.gather [hbm4b:s0+s2], $0x400, $0x38;
	[tilespmem:$0xE080] =	vst v63  }
0x42: {  	s30 =	rddreg [dreg:$0x11]  }
0x43: {  	[tilespmem:s24], [sflag:$0x3] =	stream.linear.gather [hbm4b:s30+s2], $0x400, $0x38;
	[tilespmem:$0xE080] =	vst v63  }
0x44: {  	s0 =	rddreg [dreg:$0x12]  }
0x45: {  	[tilespmem:s25], [sflag:$0x3] =	stream.linear.gather [hbm4b:s0+s2], $0x400, $0x38;
	[tilespmem:$0xE080] =	vst v63  }
0x46: {  	_ =	swait.ge [sflag:s26], $0x40  }
0x47: {  	[sflag:s26] =	ssyncset.done $0x0  }
0x48: {  	[sflag:s26] =	ssyncadd.s32 $0xFFFFFFC0  }
0x49: {  	_ =	swait.ge [sflag:s28], $0xC000  }
0x4a: {  	[sflag:s28] =	ssyncset.done $0x0  }
0x4b: {  	[sflag:s28] =	ssyncadd.s32 $0xFFFF4000  }
0x4c: {  	_ =	swait.ge [sflag:s29], $0x2000  }
0x4d: {  	[sflag:s29] =	ssyncset.done $0x0  }
0x4e: {  	[sflag:s29] =	ssyncadd.s32 $0xFFFFE000  }
0x4f: {  	v3 =	vld [tilespmem:$0x0];
	_ =	sdelay $0x4  }
0x50: {  	v4 =	vshrl.u32 v3, $0x3  }
0x51: {  	v4 =	vmul.u32 $0x38, v4  }
0x52: {  	v3 =	vand.u32 $0x7, v3  }
0x53: {  	v3 =	vor.u32 v3, v4  }
0x54: {  	v4 =	vperm.xlane v3, v0;
	_ =	sdelay $0x1  }
0x55: {  	v4 =	vadd.s32 v1, v4;
	_ =	sdelay $0x4  }
0x56: {  	[hbm4b:s5+s2] =	stream.indirect_vreg.scatter [tilespmem:s10], [sflag:$0x1], $0x80, v4, vm0, $0xb8;
	[tilespmem:$0xE080] =	vst v63  }
0x57: {  	s0 =	rddreg [dreg:$0x13];
	v3 =	vperm.xlane v3, v2  }
0x58: {  	[hbm4b:s6+s2] =	stream.indirect_vreg.scatter [tilespmem:s0], [sflag:$0x1], $0x80, v4, vm0, $0xb8;
	[tilespmem:$0xE080] =	vst v63  }
0x59: {  	s30 =	rddreg [dreg:$0x14];
	v3 =	vadd.s32 v1, v3  }
0x5a: {  	[hbm4b:s7+s2] =	stream.indirect_vreg.scatter [tilespmem:s30], [sflag:$0x1], $0x80, v4, vm0, $0xb8;
	[tilespmem:$0xE080] =	vst v63  }
0x5b: {  	_ = 	snop  }
0x5c: {  	[hbm4b:s8+s2] =	stream.indirect_vreg.scatter [tilespmem:s18], [sflag:$0x1], $0x80, v4, vm1, $0xb8;
	[tilespmem:$0xE080] =	vst v63  }
0x5d: {  	_ = 	snop  }
0x5e: {  	[hbm4b:s5+s2] =	stream.indirect_vreg.scatter [tilespmem:s11], [sflag:$0x1], $0x80, v3, vm0, $0xb8;
	[tilespmem:$0xE080] =	vst v63  }
0x5f: {  	s0 =	rddreg [dreg:$0x15]  }
0x60: {  	[hbm4b:s6+s2] =	stream.indirect_vreg.scatter [tilespmem:s0], [sflag:$0x1], $0x80, v3, vm0, $0xb8;
	[tilespmem:$0xE080] =	vst v63  }
0x61: {  	s30 =	rddreg [dreg:$0x16]  }
0x62: {  	[hbm4b:s7+s2] =	stream.indirect_vreg.scatter [tilespmem:s30], [sflag:$0x1], $0x80, v3, vm0, $0xb8;
	[tilespmem:$0xE080] =	vst v63  }
0x63: {  	_ = 	snop  }
0x64: {  	[hbm4b:s8+s2] =	stream.indirect_vreg.scatter [tilespmem:s19], [sflag:$0x1], $0x80, v3, vm1, $0xb8;
	[tilespmem:$0xE080] =	vst v63  }
0x65: {  	v3 =	vld [tilespmem:$0x10];
	_ =	sdelay $0x4  }
0x66: {  	v61 =	vshrl.u32 v3, $0x3  }
0x67: {  	v4 =	vmul.u32 $0x38, v61  }
0x68: {  	v3 =	vand.u32 $0x7, v3  }
0x69: {  	v3 =	vor.u32 v3, v4  }
0x6a: {  	v4 =	vperm.xlane v3, v0;
	_ =	sdelay $0x1  }
0x6b: {  	v4 =	vadd.s32 v1, v4;
	_ =	sdelay $0x4  }
0x6c: {  	[hbm4b:s5+s2] =	stream.indirect_vreg.scatter [tilespmem:s12], [sflag:$0x1], $0x80, v4, vm0, $0xb8;
	[tilespmem:$0xE080] =	vst v63  }
0x6d: {  	s0 =	rddreg [dreg:$0x17];
	v3 =	vperm.xlane v3, v2  }
0x6e: {  	[hbm4b:s6+s2] =	stream.indirect_vreg.scatter [tilespmem:s0], [sflag:$0x1], $0x80, v4, vm0, $0xb8;
	[tilespmem:$0xE080] =	vst v63  }
0x6f: {  	s30 =	rddreg [dreg:$0x18];
	v3 =	vadd.s32 v1, v3  }
0x70: {  	[hbm4b:s7+s2] =	stream.indirect_vreg.scatter [tilespmem:s30], [sflag:$0x1], $0x80, v4, vm0, $0xb8;
	[tilespmem:$0xE080] =	vst v63  }
0x71: {  	_ = 	snop  }
0x72: {  	[hbm4b:s8+s2] =	stream.indirect_vreg.scatter [tilespmem:s20], [sflag:$0x1], $0x80, v4, vm1, $0xb8;
	[tilespmem:$0xE080] =	vst v63  }
0x73: {  	_ = 	snop  }
0x74: {  	[hbm4b:s5+s2] =	stream.indirect_vreg.scatter [tilespmem:s13], [sflag:$0x1], $0x80, v3, vm0, $0xb8;
	[tilespmem:$0xE080] =	vst v63  }
0x75: {  	s0 =	rddreg [dreg:$0x19]  }
0x76: {  	[hbm4b:s6+s2] =	stream.indirect_vreg.scatter [tilespmem:s0], [sflag:$0x1], $0x80, v3, vm0, $0xb8;
	[tilespmem:$0xE080] =	vst v63  }
0x77: {  	s30 =	rddreg [dreg:$0x1a]  }
0x78: {  	[hbm4b:s7+s2] =	stream.indirect_vreg.scatter [tilespmem:s30], [sflag:$0x1], $0x80, v3, vm0, $0xb8;
	[tilespmem:$0xE080] =	vst v63  }
0x79: {  	_ = 	snop  }
0x7a: {  	[hbm4b:s8+s2] =	stream.indirect_vreg.scatter [tilespmem:s21], [sflag:$0x1], $0x80, v3, vm1, $0xb8;
	[tilespmem:$0xE080] =	vst v63  }
0x7b: {  	v3 =	vld [tilespmem:$0x20];
	_ =	sdelay $0x4  }
0x7c: {  	v62 =	vshrl.u32 v3, $0x3  }
0x7d: {  	v4 =	vmul.u32 $0x38, v62  }
0x7e: {  	v3 =	vand.u32 $0x7, v3  }
0x7f: {  	v3 =	vor.u32 v3, v4  }
0x80: {  	v4 =	vperm.xlane v3, v0;
	_ =	sdelay $0x1  }
0x81: {  	v4 =	vadd.s32 v1, v4;
	_ =	sdelay $0x4  }
0x82: {  	[hbm4b:s5+s2] =	stream.indirect_vreg.scatter [tilespmem:s14], [sflag:$0x1], $0x80, v4, vm0, $0xb8;
	[tilespmem:$0xE080] =	vst v63  }
0x83: {  	s0 =	rddreg [dreg:$0x1b];
	v3 =	vperm.xlane v3, v2  }
0x84: {  	[hbm4b:s6+s2] =	stream.indirect_vreg.scatter [tilespmem:s0], [sflag:$0x1], $0x80, v4, vm0, $0xb8;
	[tilespmem:$0xE080] =	vst v63  }
0x85: {  	s30 =	rddreg [dreg:$0x1c];
	v3 =	vadd.s32 v1, v3  }
0x86: {  	[hbm4b:s7+s2] =	stream.indirect_vreg.scatter [tilespmem:s30], [sflag:$0x1], $0x80, v4, vm0, $0xb8;
	[tilespmem:$0xE080] =	vst v63  }
0x87: {  	_ = 	snop  }
0x88: {  	[hbm4b:s8+s2] =	stream.indirect_vreg.scatter [tilespmem:s22], [sflag:$0x1], $0x80, v4, vm1, $0xb8;
	[tilespmem:$0xE080] =	vst v63  }
0x89: {  	_ = 	snop  }
0x8a: {  	[hbm4b:s5+s2] =	stream.indirect_vreg.scatter [tilespmem:s15], [sflag:$0x1], $0x80, v3, vm0, $0xb8;
	[tilespmem:$0xE080] =	vst v63  }
0x8b: {  	s0 =	rddreg [dreg:$0x1d]  }
0x8c: {  	[hbm4b:s6+s2] =	stream.indirect_vreg.scatter [tilespmem:s0], [sflag:$0x1], $0x80, v3, vm0, $0xb8;
	[tilespmem:$0xE080] =	vst v63  }
0x8d: {  	s30 =	rddreg [dreg:$0x1e]  }
0x8e: {  	[hbm4b:s7+s2] =	stream.indirect_vreg.scatter [tilespmem:s30], [sflag:$0x1], $0x80, v3, vm0, $0xb8;
	[tilespmem:$0xE080] =	vst v63  }
0x8f: {  	_ = 	snop  }
0x90: {  	[hbm4b:s8+s2] =	stream.indirect_vreg.scatter [tilespmem:s23], [sflag:$0x1], $0x80, v3, vm1, $0xb8;
	[tilespmem:$0xE080] =	vst v63  }
0x91: {  	v3 =	vld [tilespmem:$0x30];
	_ =	sdelay $0x4  }
0x92: {  	v63 =	vshrl.u32 v3, $0x3  }
0x93: {  	v4 =	vmul.u32 $0x38, v63  }
0x94: {  	v3 =	vand.u32 $0x7, v3  }
0x95: {  	v3 =	vor.u32 v3, v4  }
0x96: {  	v4 =	vperm.xlane v3, v0;
	_ =	sdelay $0x1  }
0x97: {  	v4 =	vadd.s32 v1, v4;
	_ =	sdelay $0x4  }
0x98: {  	[hbm4b:s5+s2] =	stream.indirect_vreg.scatter [tilespmem:s16], [sflag:$0x1], $0x80, v4, vm0, $0xb8;
	[tilespmem:$0xE080] =	vst v63  }
0x99: {  	s30 =	rddreg [dreg:$0x1f];
	v3 =	vperm.xlane v3, v2  }
0x9a: {  	[hbm4b:s6+s2] =	stream.indirect_vreg.scatter [tilespmem:s30], [sflag:$0x1], $0x80, v4, vm0, $0xb8;
	[tilespmem:$0xE080] =	vst v63  }
0x9b: {  	v3 =	vadd.s32 v1, v3;
	s30 =	simm.s32 $0xB880  }
0x9c: {  	[hbm4b:s7+s2] =	stream.indirect_vreg.scatter [tilespmem:s30], [sflag:$0x1], $0x80, v4, vm0, $0xb8;
	[tilespmem:$0xE080] =	vst v63  }
0x9d: {  	_ = 	snop  }
0x9e: {  	[hbm4b:s8+s2] =	stream.indirect_vreg.scatter [tilespmem:s24], [sflag:$0x1], $0x80, v4, vm1, $0xb8;
	[tilespmem:$0xE080] =	vst v63  }
0x9f: {  	_ = 	snop  }
0xa0: {  	[hbm4b:s5+s2] =	stream.indirect_vreg.scatter [tilespmem:s17], [sflag:$0x1], $0x80, v3, vm0, $0xb8;
	[tilespmem:$0xE080] =	vst v63  }
0xa1: {  	_ = 	snop  }
0xa2: {  	[hbm4b:s6+s2] =	stream.indirect_vreg.scatter [tilespmem:s31], [sflag:$0x1], $0x80, v3, vm0, $0xb8;
	[tilespmem:$0xE080] =	vst v63  }
0xa3: {  	p0 =	sne.s32 s9, $0x1  }
0xa4: {  	[hbm4b:s7+s2] =	stream.indirect_vreg.scatter [tilespmem:s1], [sflag:$0x1], $0x80, v3, vm0, $0xb8;
	[tilespmem:$0xE080] =	vst v63  }
.Ltmp0:
0xa5: {  	_ = 	snop;
	(pc) =	sbr.rel @p0 .LBB2_1-.Ltmp0, $4  }
0xa6: {  	[hbm4b:s8+s2] =	stream.indirect_vreg.scatter [tilespmem:s25], [sflag:$0x1], $0x80, v3, vm1, $0xb8;
	[tilespmem:$0xE080] =	vst v63  }
0xa7: {  	_ =	swait.ge [sflag:s26], $0xE000  }
0xa8: {  	[sflag:s26] =	ssyncset.done $0x0  }
0xa9: {  	s9 =	sadd.s32 $0xFFFFFFFF, s9;
	[sflag:s26] =	ssyncadd.s32 $0xFFFF2000  }
0xaa: {  	_ =	sfence.sel $0x180000  }
0xab: {  	[bflag:$0x0] =	sbarrier.arrive $0xFFFF  }
0xac: {  	_ =	strace $0x90000047  }
0xad: {  	s0 =	stileid.u32;
	[bflag:$0x2] =	sbarrier.arrive $0xFFFF  }
0xae: {  	p0 =	sne.s32 s0, $0x0;
	s0 =	rddreg [dreg:$0x3]  }
0xaf: {  	s0 =	sadd.s32 @!p0 $0x100000, s0  }
0xb0: {  	[sflag:s0] =	ssyncadd.tile.s32 @!p0 $0x1;
	_ =	shalt  }
.Lfunc_end2:
_tile_overlayer_lowered:
.L_overlay_start_2:
0xb1: {  	(tag) =	ssettag $0x2  }
0xb2: {  	s0 =	rddreg [dreg:$0x0];
	s2 =	stileid.u32  }
0xb3: {  	s1 =	rddreg [dreg:$0x1];
	p0 =	sne.s32 s2, $0x0  }
0xb4: {  	s3 =	rddreg [dreg:$0x2];
	[bflag:$0x3] =	sbarrier.arrive $0xFFFF;
	s2 =	simm.s32 @!p0 $0x1C04  }
0xb5: {  	[timem:s3], [sflag:s2] =	dma.local @!p0 [hbm:s0], s1  }
0xb6: {  	s0 =	simm.s32 @!p0 $0x4  }
0xb7: {  	_ =	swait.ge @!p0 [sflag:s0], s1  }
0xb8: {  	s1 =	ssub.s32 @!p0 $0x0, s1;
	[sflag:s0] =	ssyncset.done @!p0 $0x0  }
0xb9: {  	[sflag:s0] =	ssyncadd.s32 @!p0 s1  }
0xba: {  	[bflag:$0x3] =	sbarrier.arrive $0xFFFF  }
0xbb: {  	_ =	shalt  }

// kernel: kernel.9.cloned.1.call-start
scs
__scs_entry_jumppad:
0x0: {  	(pc) =	sbr.rel $0x88, $3  }
0x1: {  	(tag) =	ssettag $0x0;
	lr =	simm.s32 $0x1  }
0x2: {  	[smem:$0x3F9B] =	sst lr;
	_ =	strace $0xD0000000  }
0x3: {  	_ = 	snop  }
0x4: {  	_ = 	snop  }
0x5: {  	_ = 	snop  }
0x6: {  	_ = 	snop  }
0x7: {  	_ = 	snop  }
__scs_overlays_trampoline_lowered:
0x8: {  	[smem:$0x3FAA] =	sst s0  }
0x9: {  	[smem:$0x3FAB] =	sst s1  }
0xa: {  	[smem:$0x3FAC] =	sst s2  }
0xb: {  	[smem:$0x3FAD] =	sst s3  }
0xc: {  	[smem:$0x3FAE] =	sst s4  }
0xd: {  	[smem:$0x3FAF] =	sst s5  }
0xe: {  	[smem:$0x3FB0] =	sst s6  }
0xf: {  	[smem:$0x3FB1] =	sst s7  }
0x10: {  	[smem:$0x3FB2] =	sst s8  }
0x11: {  	[smem:$0x3FB3] =	sst s9;
	s0 =	simm.s32 @!p0 $0x0  }
0x12: {  	s1 =	sld [smem:$0x3F99];
	s0 =	simm.s32 @p0 $0x1  }
0x13: {  	[smem:$0x3FB4] =	sst s0;
	s0 =	simm.s32 @!p1 $0x0  }
0x14: {  	s2 =	sld [smem:$0x3F98];
	s0 =	simm.s32 @p1 $0x1  }
0x15: {  	[smem:$0x3FB5] =	sst s0;
	s0 =	simm.s32 @!p2 $0x0  }
0x16: {  	s3 =	sld [smem:$0x3FDB];
	s0 =	simm.s32 @p2 $0x1  }
0x17: {  	s4 =	simm.s32 $0x1BF5;
	[smem:$0x3FB7] =	sst s0  }
0x18: {  	s0 =	sld [smem:$0x3F9A];
	_ =	swait.ge [sflag:s4], $0x0  }
0x19: {  	s7 =	sld [smem:$0x3F9B]  }
0x1a: {  	s8 =	sadd.s32 $0xFFFFE003, lr  }
0x1b: {  	s9 =	sadd.s32 $0xFFFFFEF7, lr;
	s5 =	simm.s32 $0xFFFFFFFF;
	p2 =	slt.u32 s8, $0xFFFFF086  }
0x1c: {  	p1 =	slt.u32 s9, $0xF7A;
	s5 =	simm.s32 @!p2 $0x0  }
0x1d: {  	s5 =	simm.s32 @p1 $0x1;
	p0 =	seq.s32 s7, s2  }
0x1e: {  	s7 =	smul.u32 @!p0 $0xF7A, s2;
	p2 =	seq.s32 @!p0 s5, $0x0  }
0x1f: {  	s9 =	smul.u32 $0xF7A, s1;
	s8 =	simm.s32 @!p0 $0x1BF5;
	p2 =	por !p2, p0  }
0x20: {  	[sflag:s8] =	ssyncset.s32 @!p0 $0xFFFFF086;
	s6 =	sadd.s32 @!p0 s3, s7;
	s7 =	simm.s32 @!p0 $0x108  }
0x21: {  	s3 =	sadd.s32 s3, s9;
	s6 =	sadd.s32 @!p0 $0x88, s6;
	s7 =	simm.s32 @p2 $0x1082  }
0x22: {  	[simem:s7], [sflag:s8] =	dma.local @!p0 [hbm:s6], $0xF7A  }
0x23: {  	s9 =	sor.u32 $0xD0000000, s2;
	s6 =	simm.s32 $0x108;
	_ =	swait.ge @!p0 [sflag:s8], $0x0  }
0x24: {  	s3 =	sadd.s32 $0x88, s3;
	s6 =	simm.s32 @!p1 $0x1082;
	[sflag:s4] =	ssyncset.s32 $0xFFFFF086  }
0x25: {  	[simem:s6], [sflag:s4] =	dma.local [hbm:s3], $0xF7A  }
0x26: {  	[smem:$0x3F9B] =	sst s1;
	(tag) =	ssettag s2;
	_ =	strace s9  }
0x27: {  	s1 =	sld [smem:$0x3FAB]  }
0x28: {  	s2 =	sld [smem:$0x3FAC]  }
0x29: {  	s4 =	sld [smem:$0x3FAE]  }
0x2a: {  	p0 =	seq.s32 s5, $0x0;
	s5 =	sld [smem:$0x3FAF]  }
0x2b: {  	s6 =	sld [smem:$0x3FB0]  }
0x2c: {  	s7 =	sld [smem:$0x3FB1]  }
0x2d: {  	s3 =	simm.s32 $0x108;
	s8 =	sld [smem:$0x3FB2]  }
0x2e: {  	s3 =	simm.s32 @!p0 $0x1082;
	s9 =	sld [smem:$0x3FB3]  }
0x2f: {  	lr =	sadd.s32 s0, s3;
	s0 =	sld [smem:$0x3FAA]  }
0x30: {  	s3 =	sld [smem:$0x3FAD]  }
0x31: {  	[smem:$0x3FB6] =	sst s10  }
0x32: {  	s10 =	sld [smem:$0x3FB4];
	_ =	sdelay $0x3  }
0x33: {  	p0 =	seq.s32 s10, $0x1;
	s10 =	sld [smem:$0x3FB6];
	_ =	sdelay $0x3  }
0x34: {  	[smem:$0x3FB6] =	sst s10  }
0x35: {  	s10 =	sld [smem:$0x3FB5];
	_ =	sdelay $0x3  }
0x36: {  	p1 =	seq.s32 s10, $0x1;
	s10 =	sld [smem:$0x3FB6];
	_ =	sdelay $0x3  }
0x37: {  	[smem:$0x3FB6] =	sst s10  }
0x38: {  	s10 =	sld [smem:$0x3FB7]  }
0x39: {  	_ = 	snop;
	(pc) =	sbr.ind lr, $3  }
0x3a: {  	_ = 	snop  }
0x3b: {  	_ = 	snop  }
0x3c: {  	p2 =	seq.s32 s10, $0x1;
	s10 =	sld [smem:$0x3FB6]  }
0x3d: {  	_ =	shalt  }
0x3e: {  	_ =	shalt  }
0x3f: {  	_ =	shalt  }
0x40: {  	_ =	shalt  }
0x41: {  	_ =	shalt  }
0x42: {  	_ =	shalt  }
0x43: {  	_ =	shalt  }
0x44: {  	_ =	shalt  }
0x45: {  	_ =	shalt  }
0x46: {  	_ =	shalt  }
0x47: {  	_ =	shalt  }
0x48: {  	_ =	shalt  }
0x49: {  	_ =	shalt  }
0x4a: {  	_ =	shalt  }
0x4b: {  	_ =	shalt  }
0x4c: {  	_ =	shalt  }
0x4d: {  	_ =	shalt  }
0x4e: {  	_ =	shalt  }
0x4f: {  	_ =	shalt  }
0x50: {  	_ =	shalt  }
0x51: {  	_ =	shalt  }
0x52: {  	_ =	shalt  }
0x53: {  	_ =	shalt  }
0x54: {  	_ =	shalt  }
0x55: {  	_ =	shalt  }
0x56: {  	_ =	shalt  }
0x57: {  	_ =	shalt  }
0x58: {  	_ =	shalt  }
0x59: {  	_ =	shalt  }
0x5a: {  	_ =	shalt  }
0x5b: {  	_ =	shalt  }
0x5c: {  	_ =	shalt  }
0x5d: {  	_ =	shalt  }
0x5e: {  	_ =	shalt  }
0x5f: {  	_ =	shalt  }
0x60: {  	_ =	shalt  }
0x61: {  	_ =	shalt  }
0x62: {  	_ =	shalt  }
0x63: {  	_ =	shalt  }
0x64: {  	_ =	shalt  }
0x65: {  	_ =	shalt  }
0x66: {  	_ =	shalt  }
0x67: {  	_ =	shalt  }
0x68: {  	_ =	shalt  }
0x69: {  	_ =	shalt  }
0x6a: {  	_ =	shalt  }
0x6b: {  	_ =	shalt  }
0x6c: {  	_ =	shalt  }
0x6d: {  	_ =	shalt  }
0x6e: {  	_ =	shalt  }
0x6f: {  	_ =	shalt  }
0x70: {  	_ =	shalt  }
0x71: {  	_ =	shalt  }
0x72: {  	_ =	shalt  }
0x73: {  	_ =	shalt  }
0x74: {  	_ =	shalt  }
0x75: {  	_ =	shalt  }
0x76: {  	_ =	shalt  }
0x77: {  	_ =	shalt  }
0x78: {  	_ =	shalt  }
0x79: {  	_ =	shalt  }
0x7a: {  	_ =	shalt  }
0x7b: {  	_ =	shalt  }
0x7c: {  	_ =	shalt  }
0x7d: {  	_ =	shalt  }
0x7e: {  	_ =	shalt  }
0x7f: {  	_ =	shalt  }
0x80: {  	_ =	shalt  }
0x81: {  	_ =	shalt  }
0x82: {  	_ =	shalt  }
0x83: {  	_ =	shalt  }
0x84: {  	_ =	shalt  }
0x85: {  	_ =	shalt  }
0x86: {  	_ =	shalt  }
0x87: {  	_ =	shalt  }
.Lfunc_end0:
.L_simem_size_0:
called_computation.1_lowered:
.L_overlay_start_0:
0x88: {  	s2 =	sld [smem:$0x3FD9]  }
0x89: {  	s3 =	sld [smem:$0x3FFE];
	_ =	sdelay $0x1  }
0x8a: {  	s1 =	srdreg.scid  }
0x8b: {  	s0 =	sand.u32 $0x1, s1  }
0x8c: {  	s17 =	sshll.u32 s0, $0xA;
	s2 =	sadd.s32 s3, s2  }
0x8d: {  	s2 =	sadd.s32 s2, s17  }
0x8e: {  	[smem:$0x3FC2] =	sst s2  }
0x8f: {  	_ = 	snop  }
0x90: {  	s2 =	sld [smem:$0x3FD0];
	(tm) =	ssettm $0x1  }
0x91: {  	s18 =	sld [smem:$0x3FFB];
	_ =	sdelay $0x3  }
0x92: {  	_ =	strace s18  }
0x93: {  	s3 =	sld [smem:$0x3FFC];
	_ =	sdelay $0x3  }
0x94: {  	_ =	strace s3  }
0x95: {  	s3 =	sld [smem:$0x3FFD];
	_ =	sdelay $0x3  }
0x96: {  	_ =	strace s3  }
0x97: {  	_ =	strace $0x8FFFFFFF  }
0x98: {  	s19 =	sld [smem:$0x3FDB];
	_ =	sdelay $0x1  }
0x99: {  	s4 =	simm.s32 $_scs_section_size  }
0x9a: {  	s5 =	simm.s32 $_size__tile_overlayer_lowered;
	s6 =	simm.s32 $_tile_overlayer_lowered  }
0x9b: {  	s22 =	simm.s32 $0x1BFF;
	s21 =	sshll.u32 s6, $0x1;
	s3 =	sadd.s32 s4, s19  }
0x9c: {  	s7 =	simm.s32 $0x0;
	s20 =	sshll.u32 s5, $0x1;
	s5 =	sadd.s32 s21, s3  }
0x9d: {  	[timem:s7], [sflag:s22] =	dma.local [hbm:s5], s20  }
0x9e: {  	_ =	swait.ge [sflag:s22], s20  }
0x9f: {  	s4 =	ssub.s32 $0x0, s20;
	[sflag:s22] =	ssyncset.done $0x0  }
0xa0: {  	[sflag:s22] =	ssyncadd.s32 s4;
	_ =	sdelay $0x1  }
0xa1: {  	s23 =	simm.s32 $0x1B8B  }
0xa2: {  	_ =	swait.ge [sflag:s23], $0x1  }
0xa3: {  	[sflag:s23] =	ssyncset.done $0x0  }
0xa4: {  	s25 =	simm.s32 $0x1B8E;
	s24 =	sld [smem:$0x3FFE];
	[sflag:s23] =	ssyncadd.s32 $0xFFFFFFFF  }
0xa5: {  	s26 =	simm.s32 $execute0_lowered;
	[smem:$0x3FD2] =	sst s25  }
0xa6: {  	s5 =	sshll.u32 s26, $0x1;
	_ =	strace $0x80000049;
	[dreg:$0x1] =	wrdreg $0xFFFFFFFF  }
0xa7: {  	s28 =	simm.s32 $_size_execute0_lowered;
	s3 =	sadd.s32 s3, s5;
	[dreg:$0x0] =	wrdreg $0x0  }
0xa8: {  	s5 =	sshll.u32 s28, $0x1;
	[dreg:$0x2] =	wrdreg s3  }
0xa9: {  	[dreg:$0x3] =	wrdreg s5  }
0xaa: {  	[dreg:$0x4] =	wrdreg $0xC0  }
0xab: {  	_ =	task [dreg:s7], $0x5FFFF  }
0xac: {  	[dreg:$0x1] =	wrdreg $0xFFFFFFFF  }
0xad: {  	[dreg:$0x0] =	wrdreg $0x60  }
0xae: {  	[dreg:$0x2] =	wrdreg s24  }
0xaf: {  	[dreg:$0x3] =	wrdreg s2  }
0xb0: {  	[dreg:$0x4] =	wrdreg $0x9  }
0xb1: {  	_ =	task.clear_ibuf [dreg:s7], $0x5FFFF;
	_ =	strace $0x90000049  }
0xb2: {  	s29 =	simm.s32 $0x9;
	_ =	strace $0x8000004B  }
0xb3: {  	_ =	swait.ge [sflag:s29], $0x1  }
0xb4: {  	[sflag:s29] =	ssyncadd.s32 $0xFFFFFFFF  }
0xb5: {  	_ =	strace $0x9000004B  }
0xb6: {  	_ =	sfence  }
0xb7: {  	s30 =	sld [smem:$0x0];
	_ =	sdelay $0x2  }
0xb8: {  	s31 =	sshll.u32 s1, $0xD;
	s1 =	sshrl.u32 s1, $0x2  }
0xb9: {  	s3 =	sand.u32 $0x4000, s31;
	s1 =	sadd.s32 s1, s30  }
0xba: {  	s0 =	sor.u32 s3, s0;
	s1 =	sshll.u32 s1, $0x11  }
0xbb: {  	s0 =	sor.u32 s1, s0  }
0xbc: {  	s0 =	sadd.s32 $0x8F2B, s0  }
0xbd: {  	[sflag:s0] =	ssyncadd.remote.s32 $0x1  }
0xbe: {  	_ =	sfence.sel $0xFFFF  }
0xbf: {  	[dreg:$0x0] =	wrdreg $0xFFFFFFFF;
	(pc) =	sbr.abs _section_cstart, $3  }
0xc0: {  	[dreg:$0x1] =	wrdreg $0xFFFFFFFF  }
0xc1: {  	_ =	task.clear_ibuf [dreg:s7], $0x2FFFF;
	_ =	strace $0x9FFFFFFF  }
0xc2: {  	(tm) =	ssettm $0x7FFFFFFF  }
0xc3: {  	_ =	shalt  }
tec
execute0_lowered:
.L_overlay_start_1:
0x0: {  	(tag) =	ssettag $0x1  }
0x1: {  	s0 =	rddreg [dreg:$0x0]  }
0x2: {  	s5 =	rddreg [dreg:$0x1];
	s3 =	srdreg.scid  }
0x3: {  	s2 =	simm.s32 $0x0;
	s1 =	stileid.u32;
	s26 =	simm.s32 $0x880  }
0x4: {  	s10 =	simm.s32 $0x1880;
	s11 =	simm.s32 $0x2080;
	s12 =	simm.s32 $0x2880  }
0x5: {  	s13 =	simm.s32 $0x3080;
	s14 =	simm.s32 $0x3880;
	s15 =	simm.s32 $0x4080  }
0x6: {  	s16 =	simm.s32 $0x4880;
	s17 =	simm.s32 $0x5080;
	s18 =	simm.s32 $0x5880  }
0x7: {  	s19 =	simm.s32 $0x6080;
	s20 =	simm.s32 $0x6880;
	s21 =	simm.s32 $0x7080  }
0x8: {  	s22 =	simm.s32 $0x7880;
	s28 =	simm.s32 $0xA080;
	s29 =	simm.s32 $0xA880  }
0x9: {  	s30 =	simm.s32 $0xB080;
	s31 =	simm.s32 $0xB880;
	s3 =	sand.u32 $0x1, s3  }
0xa: {  	[smem:$0x7FF] =	sst s2;
	s4 =	sshll.u32 s1, $0x4;
	s6 =	sshll.u32 s3, $0x3  }
0xb: {  	_ =	strace $0x8000004A;
	s23 =	ssub.s32 $0x2, s3;
	s3 =	sadd.s32 $0x1600, s0  }
0xc: {  	[dreg:$0x5] =	wrdreg s26;
	s26 =	simm.s32 $0x9880;
	s4 =	sor.u32 s6, s4  }
0xd: {  	s8 =	sshrl.u32 s23, $0x1;
	s7 =	sadd.s32 s4, s0;
	s9 =	smul.u32 $0x300, s4  }
0xe: {  	s6 =	ssub.s32 s23, s8;
	s4 =	sadd.s32 $0x1700, s0;
	s8 =	simm.s32 $0x80  }
0xf: {  	s23 =	simm.s32 $0x8080;
	s24 =	sadd.s32 $0x1400, s7;
	s6 =	smax.u32 s6, $0x1  }
0x10: {  	v2 =	vlaneseq.u32;
	s7 =	simm.s32 $0x2;
	[dreg:$0x3] =	wrdreg s24;
	s25 =	sadd.s32 s5, s9  }
0x11: {  	vm0 =	vmmov $0xffff;
	v1 =	vshrl.u32 v2, $0x3;
	s5 =	sadd.s32 $0x1800, s0;
	s9 =	simm.s32 $0x1080;
	s24 =	simm.s32 $0x8880  }
0x12: {  	v0 =	vand.u32 $0x7, v2;
	v2 =	vor.u32 $0x8, v2;
	v1 =	vmul.u32 $0x8, v1;
	s0 =	simm.s32 $0x1;
	[dreg:$0x4] =	wrdreg s25;
	s25 =	simm.s32 $0x9080  }
.LBB2_1:
0x13: {  	s1 =	rddreg [dreg:$0x3]  }
0x14: {  	[tilespmem:s2], [sflag:$0x2] =	stream.linear.gather [hbm4b:s1+s2], $0x40, $0x38;
	[tilespmem:$0xC080] =	vst v63  }
0x15: {  	_ =	swait.ge [sflag:s7], $0x40  }
0x16: {  	[sflag:s7] =	ssyncset.done $0x0  }
0x17: {  	[sflag:s7] =	ssyncadd.s32 $0xFFFFFFC0  }
0x18: {  	v3 =	vld [tilespmem:$0x0];
	_ =	sdelay $0x4  }
0x19: {  	v4 =	vshrl.u32 v3, $0x3  }
0x1a: {  	v4 =	vmul.u32 $0x30, v4  }
0x1b: {  	v3 =	vand.u32 $0x7, v3  }
0x1c: {  	v3 =	vor.u32 v3, v4  }
0x1d: {  	v4 =	vperm.xlane v3, v0;
	_ =	sdelay $0x1  }
0x1e: {  	v4 =	vadd.s32 v1, v4;
	_ =	sdelay $0x3  }
0x1f: {  	v3 =	vperm.xlane v3, v2  }
0x20: {  	[tilespmem:s8], [sflag:$0x1] =	stream.indirect_vreg.gather [hbm4b:s3+s2], $0x80, v4, vm0, $0xb8;
	[tilespmem:$0xC080] =	vst v63  }
0x21: {  	s1 =	rddreg [dreg:$0x5];
	v3 =	vadd.s32 v1, v3  }
0x22: {  	[tilespmem:s1], [sflag:$0x1] =	stream.indirect_vreg.gather [hbm4b:s4+s2], $0x80, v4, vm0, $0xb8;
	[tilespmem:$0xC080] =	vst v63  }
0x23: {  	_ = 	snop  }
0x24: {  	[tilespmem:s9], [sflag:$0x1] =	stream.indirect_vreg.gather [hbm4b:s5+s2], $0x80, v4, vm0, $0xb8;
	[tilespmem:$0xC080] =	vst v63  }
0x25: {  	_ = 	snop  }
0x26: {  	[tilespmem:s10], [sflag:$0x1] =	stream.indirect_vreg.gather [hbm4b:s3+s2], $0x80, v3, vm0, $0xb8;
	[tilespmem:$0xC080] =	vst v63  }
0x27: {  	_ = 	snop  }
0x28: {  	[tilespmem:s11], [sflag:$0x1] =	stream.indirect_vreg.gather [hbm4b:s4+s2], $0x80, v3, vm0, $0xb8;
	[tilespmem:$0xC080] =	vst v63  }
0x29: {  	_ = 	snop  }
0x2a: {  	[tilespmem:s12], [sflag:$0x1] =	stream.indirect_vreg.gather [hbm4b:s5+s2], $0x80, v3, vm0, $0xb8;
	[tilespmem:$0xC080] =	vst v63  }
0x2b: {  	v3 =	vld [tilespmem:$0x10];
	_ =	sdelay $0x4  }
0x2c: {  	v61 =	vshrl.u32 v3, $0x3  }
0x2d: {  	v4 =	vmul.u32 $0x30, v61  }
0x2e: {  	v3 =	vand.u32 $0x7, v3  }
0x2f: {  	v3 =	vor.u32 v3, v4  }
0x30: {  	v4 =	vperm.xlane v3, v0;
	_ =	sdelay $0x1  }
0x31: {  	v4 =	vadd.s32 v1, v4;
	_ =	sdelay $0x3  }
0x32: {  	v3 =	vperm.xlane v3, v2  }
0x33: {  	[tilespmem:s13], [sflag:$0x1] =	stream.indirect_vreg.gather [hbm4b:s3+s2], $0x80, v4, vm0, $0xb8;
	[tilespmem:$0xC080] =	vst v63  }
0x34: {  	v3 =	vadd.s32 v1, v3  }
0x35: {  	[tilespmem:s14], [sflag:$0x1] =	stream.indirect_vreg.gather [hbm4b:s4+s2], $0x80, v4, vm0, $0xb8;
	[tilespmem:$0xC080] =	vst v63  }
0x36: {  	_ = 	snop  }
0x37: {  	[tilespmem:s15], [sflag:$0x1] =	stream.indirect_vreg.gather [hbm4b:s5+s2], $0x80, v4, vm0, $0xb8;
	[tilespmem:$0xC080] =	vst v63  }
0x38: {  	_ = 	snop  }
0x39: {  	[tilespmem:s16], [sflag:$0x1] =	stream.indirect_vreg.gather [hbm4b:s3+s2], $0x80, v3, vm0, $0xb8;
	[tilespmem:$0xC080] =	vst v63  }
0x3a: {  	_ = 	snop  }
0x3b: {  	[tilespmem:s17], [sflag:$0x1] =	stream.indirect_vreg.gather [hbm4b:s4+s2], $0x80, v3, vm0, $0xb8;
	[tilespmem:$0xC080] =	vst v63  }
0x3c: {  	_ = 	snop  }
0x3d: {  	[tilespmem:s18], [sflag:$0x1] =	stream.indirect_vreg.gather [hbm4b:s5+s2], $0x80, v3, vm0, $0xb8;
	[tilespmem:$0xC080] =	vst v63  }
0x3e: {  	v3 =	vld [tilespmem:$0x20];
	_ =	sdelay $0x4  }
0x3f: {  	v62 =	vshrl.u32 v3, $0x3  }
0x40: {  	v4 =	vmul.u32 $0x30, v62  }
0x41: {  	v3 =	vand.u32 $0x7, v3  }
0x42: {  	v3 =	vor.u32 v3, v4  }
0x43: {  	v4 =	vperm.xlane v3, v0;
	_ =	sdelay $0x1  }
0x44: {  	v4 =	vadd.s32 v1, v4;
	_ =	sdelay $0x3  }
0x45: {  	v3 =	vperm.xlane v3, v2  }
0x46: {  	[tilespmem:s19], [sflag:$0x1] =	stream.indirect_vreg.gather [hbm4b:s3+s2], $0x80, v4, vm0, $0xb8;
	[tilespmem:$0xC080] =	vst v63  }
0x47: {  	v3 =	vadd.s32 v1, v3  }
0x48: {  	[tilespmem:s20], [sflag:$0x1] =	stream.indirect_vreg.gather [hbm4b:s4+s2], $0x80, v4, vm0, $0xb8;
	[tilespmem:$0xC080] =	vst v63  }
0x49: {  	_ = 	snop  }
0x4a: {  	[tilespmem:s21], [sflag:$0x1] =	stream.indirect_vreg.gather [hbm4b:s5+s2], $0x80, v4, vm0, $0xb8;
	[tilespmem:$0xC080] =	vst v63  }
0x4b: {  	_ = 	snop  }
0x4c: {  	[tilespmem:s22], [sflag:$0x1] =	stream.indirect_vreg.gather [hbm4b:s3+s2], $0x80, v3, vm0, $0xb8;
	[tilespmem:$0xC080] =	vst v63  }
0x4d: {  	_ = 	snop  }
0x4e: {  	[tilespmem:s23], [sflag:$0x1] =	stream.indirect_vreg.gather [hbm4b:s4+s2], $0x80, v3, vm0, $0xb8;
	[tilespmem:$0xC080] =	vst v63  }
0x4f: {  	_ = 	snop  }
0x50: {  	[tilespmem:s24], [sflag:$0x1] =	stream.indirect_vreg.gather [hbm4b:s5+s2], $0x80, v3, vm0, $0xb8;
	[tilespmem:$0xC080] =	vst v63  }
0x51: {  	v3 =	vld [tilespmem:$0x30];
	_ =	sdelay $0x4  }
0x52: {  	v63 =	vshrl.u32 v3, $0x3  }
0x53: {  	v4 =	vmul.u32 $0x30, v63  }
0x54: {  	v3 =	vand.u32 $0x7, v3  }
0x55: {  	v3 =	vor.u32 v3, v4  }
0x56: {  	v4 =	vperm.xlane v3, v0;
	_ =	sdelay $0x1  }
0x57: {  	v4 =	vadd.s32 v1, v4;
	_ =	sdelay $0x3  }
0x58: {  	v3 =	vperm.xlane v3, v2  }
0x59: {  	[tilespmem:s25], [sflag:$0x1] =	stream.indirect_vreg.gather [hbm4b:s3+s2], $0x80, v4, vm0, $0xb8;
	[tilespmem:$0xC080] =	vst v63  }
0x5a: {  	v3 =	vadd.s32 v1, v3  }
0x5b: {  	[tilespmem:s26], [sflag:$0x1] =	stream.indirect_vreg.gather [hbm4b:s4+s2], $0x80, v4, vm0, $0xb8;
	[tilespmem:$0xC080] =	vst v63  }
0x5c: {  	_ = 	snop  }
0x5d: {  	[tilespmem:s28], [sflag:$0x1] =	stream.indirect_vreg.gather [hbm4b:s5+s2], $0x80, v4, vm0, $0xb8;
	[tilespmem:$0xC080] =	vst v63  }
0x5e: {  	_ = 	snop  }
0x5f: {  	[tilespmem:s29], [sflag:$0x1] =	stream.indirect_vreg.gather [hbm4b:s3+s2], $0x80, v3, vm0, $0xb8;
	[tilespmem:$0xC080] =	vst v63  }
0x60: {  	_ = 	snop  }
0x61: {  	[tilespmem:s30], [sflag:$0x1] =	stream.indirect_vreg.gather [hbm4b:s4+s2], $0x80, v3, vm0, $0xb8;
	[tilespmem:$0xC080] =	vst v63  }
0x62: {  	_ = 	snop  }
0x63: {  	[tilespmem:s31], [sflag:$0x1] =	stream.indirect_vreg.gather [hbm4b:s5+s2], $0x80, v3, vm0, $0xb8;
	[tilespmem:$0xC080] =	vst v63  }
0x64: {  	_ =	swait.ge [sflag:s0], $0xC000  }
0x65: {  	p0 =	sne.s32 s6, $0x1;
	[sflag:s0] =	ssyncset.done $0x0  }
.Ltmp0:
0x66: {  	s1 =	rddreg [dreg:$0x4];
	[sflag:s0] =	ssyncadd.s32 $0xFFFF4000;
	(pc) =	sbr.rel @p0 .LBB2_1-.Ltmp0, $4  }
0x67: {  	[hbm4b:s1+s2] =	stream.linear.scatter [tilespmem:s8], [sflag:$0x2], $0xC000, $0x38;
	[tilespmem:$0xC080] =	vst v63  }
0x68: {  	_ =	swait.ge [sflag:s7], $0xC000  }
0x69: {  	[sflag:s7] =	ssyncset.done $0x0  }
0x6a: {  	s6 =	sadd.s32 $0xFFFFFFFF, s6;
	[sflag:s7] =	ssyncadd.s32 $0xFFFF4000  }
0x6b: {  	_ =	sfence.sel $0x180000  }
0x6c: {  	[bflag:$0x0] =	sbarrier.arrive $0xFFFF  }
0x6d: {  	_ =	strace $0x9000004A  }
0x6e: {  	s0 =	stileid.u32;
	[bflag:$0x2] =	sbarrier.arrive $0xFFFF  }
0x6f: {  	p0 =	sne.s32 s0, $0x0;
	s0 =	rddreg [dreg:$0x2]  }
0x70: {  	s0 =	sadd.s32 @!p0 $0x100000, s0  }
0x71: {  	[sflag:s0] =	ssyncadd.tile.s32 @!p0 $0x1;
	_ =	shalt  }
.Lfunc_end2:
_tile_overlayer_lowered:
.L_overlay_start_2:
0x72: {  	(tag) =	ssettag $0x2  }
0x73: {  	s0 =	rddreg [dreg:$0x0];
	s2 =	stileid.u32  }
0x74: {  	s1 =	rddreg [dreg:$0x1];
	p0 =	sne.s32 s2, $0x0  }
0x75: {  	s3 =	rddreg [dreg:$0x2];
	[bflag:$0x3] =	sbarrier.arrive $0xFFFF;
	s2 =	simm.s32 @!p0 $0x1C02  }
0x76: {  	[timem:s3], [sflag:s2] =	dma.local @!p0 [hbm:s0], s1  }
0x77: {  	s0 =	simm.s32 @!p0 $0x2  }
0x78: {  	_ =	swait.ge @!p0 [sflag:s0], s1  }
0x79: {  	s1 =	ssub.s32 @!p0 $0x0, s1;
	[sflag:s0] =	ssyncset.done @!p0 $0x0  }
0x7a: {  	[sflag:s0] =	ssyncadd.s32 @!p0 s1  }
0x7b: {  	[bflag:$0x3] =	sbarrier.arrive $0xFFFF  }
0x7c: {  	_ =	shalt  }

</sc_bundles>
